<compile_context>
chip_gen: v7x
topology: tpu7x:2x2x1
jax: 0.10.2.dev20260603
libtpu: 0.0.44.dev20260713+nightly
codegen_flags: <defaults>
</compile_context>

<pallas_src>
import functools

import jax
import jax.numpy as jnp
from jax import lax
from jax.experimental import pallas as pl
from jax.experimental.pallas import tpu as pltpu
from jax.experimental.pallas import tpu_sc as plsc

_NC = 2
_NS = 16
_NW = _NC * _NS
_L = 16


def _transpose_tile_to(out_buf, in_buf, ncols):
    lane = lax.iota(jnp.int32, _L)
    rows = (lane, 16 + lane)

    @plsc.parallel_loop(0, ncols, unroll=8)
    def _(l):
        col = jnp.full((_L,), l, jnp.int32)
        a = lax.shift_right_logical(l, 5)
        b = lax.bitwise_and(lax.shift_right_logical(l, 2), 7)
        o = lax.shift_left(lax.bitwise_and(l, 3), 5)
        for d0 in (0, 16):
            vals = plsc.load_gather(in_buf, [rows[d0 // 16], col])
            out_buf[a, b, pl.ds(o + d0, _L)] = vals


@functools.lru_cache(maxsize=None)
def _make_transpose(V, D):
    assert D == 32
    ntc = (V + 127) // 128
    CH = 1
    nq = ntc // CH
    rem = ntc - nq * CH
    iters = nq // _NW + 1
    mesh = plsc.VectorSubcoreMesh(core_axis_name="c", subcore_axis_name="s")

    @functools.partial(
        pl.kernel,
        mesh=mesh,
        compiler_params=pltpu.CompilerParams(needs_layout_passes=False),
        out_type=jax.ShapeDtypeStruct((4 * ntc, 8, 128), jnp.float32),
        scratch_types=[
            pltpu.VMEM((2, D, CH * 128 + 1), jnp.float32),
            pltpu.VMEM((2, 4 * CH, 8, 128), jnp.float32),
            pltpu.SemaphoreType.DMA,
            pltpu.SemaphoreType.DMA,
            pltpu.SemaphoreType.DMA,
            pltpu.SemaphoreType.DMA,
        ],
    )
    def transpose_kernel(wt, out, in_v, tr_v, sem_a, sem_b, sem_oa, sem_ob):
        w = lax.axis_index("s") * _NC + lax.axis_index("c")
        sems = (sem_a, sem_b)
        osems = (sem_oa, sem_ob)

        def q_of(t):
            return t * _NW + w

        def start_read(t, h):
            q = q_of(t)

            @pl.when(q < nq)
            def _():
                pltpu.async_copy(
                    wt.at[:, pl.ds(pl.multiple_of(q * CH * 128, 128), CH * 128)],
                    in_v.at[h, :, pl.ds(0, CH * 128)],
                    sems[h],
                )

        start_read(0, 0)

        def body(t, _):
            for h in (0, 1):
                tt = 2 * t + h
                q = q_of(tt)
                start_read(tt + 1, 1 - h)

                @pl.when(q < nq)
                def _():
                    pltpu.make_async_copy(
                        wt.at[:, pl.ds(0, CH * 128)],
                        in_v.at[h, :, pl.ds(0, CH * 128)],
                        sems[h],
                    ).wait()

                    @pl.when(tt >= 2)
                    def _():
                        pltpu.make_async_copy(
                            tr_v.at[h], out.at[pl.ds(0, 4 * CH)], osems[h]
                        ).wait()

                    _transpose_tile_to(tr_v.at[h], in_v.at[h], CH * 128)
                    pltpu.async_copy(
                        tr_v.at[h], out.at[pl.ds(4 * CH * q, 4 * CH)], osems[h]
                    )

            return 0

        lax.fori_loop(0, (iters + 1) // 2, body, 0)

        for h in (0, 1):
            pltpu.make_async_copy(
                tr_v.at[h], out.at[pl.ds(0, 4 * CH)], osems[h]
            ).wait()

        if rem:
            @pl.when(w == 0)
            def _():
                pltpu.async_copy(
                    wt.at[
                        :,
                        pl.ds(pl.multiple_of(nq * CH * 128, 128), rem * 128),
                    ],
                    in_v.at[0, :, pl.ds(0, rem * 128)],
                    sem_a,
                ).wait()
                _transpose_tile_to(tr_v.at[0], in_v.at[0], rem * 128)
                pltpu.async_copy(
                    tr_v.at[0, pl.ds(0, 4 * rem)],
                    out.at[pl.ds(4 * CH * nq, 4 * rem)],
                    sem_oa,
                ).wait()

    return transpose_kernel


@functools.lru_cache(maxsize=None)
def _make_gather(V, D, J, B):
    assert B % (_NW * 128) == 0 and D == 32
    ntc = B // 128
    mesh = plsc.VectorSubcoreMesh(core_axis_name="c", subcore_axis_name="s")

    @functools.partial(
        pl.kernel,
        mesh=mesh,
        compiler_params=pltpu.CompilerParams(
            use_tc_tiling_on_sc=False, needs_layout_passes=False
        ),
        out_type=jax.ShapeDtypeStruct((J, D // 8, ntc, 8, 128), jnp.float32),
        scratch_types=[
            pltpu.VMEM((J, 128), jnp.int32),
            pltpu.VMEM((2, 128, D), jnp.float32),
            pltpu.VMEM((2, 4, 8, 128), jnp.float32),
            pltpu.SemaphoreType.DMA,
            pltpu.SemaphoreType.DMA,
            pltpu.SemaphoreType.DMA,
            pltpu.SemaphoreType.DMA,
            pltpu.SemaphoreType.DMA,
        ],
    )
    def gather_kernel(
        table, idx, out, idx_v, rows_v, perm_v, sem_i, sem_a, sem_b, sem_oa, sem_ob
    ):
        w = lax.axis_index("s") * _NC + lax.axis_index("c")
        tc = w
        lane = lax.iota(jnp.int32, _L)
        sems = (sem_a, sem_b)
        osems = (sem_oa, sem_ob)

        pltpu.async_copy(idx.at[:, pl.ds(tc * 128, 128)], idx_v, sem_i).wait()

        def start_gather(j, h):
            @pl.when(j < J)
            def _():
                pltpu.async_copy(table.at[idx_v.at[j]], rows_v.at[h], sems[h])

        start_gather(0, 0)

        def body(jj, _):
            for h in (0, 1):
                j = 2 * jj + h
                start_gather(j + 1, 1 - h)
                pltpu.make_async_copy(
                    table.at[pl.ds(0, 128)], rows_v.at[h], sems[h]
                ).wait()

                @pl.when(j >= 2)
                def _():
                    pltpu.make_async_copy(
                        perm_v.at[h], out.at[0, :, 0], osems[h]
                    ).wait()

                @plsc.parallel_loop(0, D, unroll=4)
                def _(d):
                    col = jnp.full((_L,), d, jnp.int32)
                    a = lax.shift_right_logical(d, 3)
                    b = lax.bitwise_and(d, 7)
                    for l0 in range(0, 128, _L):
                        vals = plsc.load_gather(rows_v.at[h], [l0 + lane, col])
                        perm_v[h, a, b, pl.ds(l0, _L)] = vals

                pltpu.async_copy(perm_v.at[h], out.at[j, :, tc], osems[h])

            return 0

        lax.fori_loop(0, J // 2, body, 0)

        for h in (0, 1):
            pltpu.make_async_copy(perm_v.at[h], out.at[0, :, 0], osems[h]).wait()

    return gather_kernel


def kernel(x, weight):
    Bq, J = x.shape
    V, D = weight.shape
    wt_lin = _make_transpose(V, D)(weight.T)
    V_pad = wt_lin.shape[0] * 1024 // D
    table = wt_lin.reshape(V_pad, D)
    idx = x.T.astype(jnp.int32)
    out5 = _make_gather(V, D, J, Bq)(table, idx)
    return out5.transpose(2, 4, 0, 1, 3).reshape(Bq, J, D)

# --- scband reference (transcript-rebuilt; emitter-appended) ---
"""Pipeline reference for scband-embedding-5884105195749 (READ-ONLY COPY).

The authoritative reference and input builder live on the scoring server;
editing this copy changes nothing except your own understanding.
"""

import jax, jax.numpy as jnp
import numpy as np

NUM_EMBEDDINGS = 1000000
EMBEDDING_DIM = 32

def setup_inputs(seed: int = 0) -> dict:
    key = jax.random.key(seed)
    k1, k2 = jax.random.split(key)
    x = jax.random.randint(k1, (4096, 26), 0, NUM_EMBEDDINGS, dtype=jnp.int64 if jax.config.read('jax_enable_x64') else jnp.int32)
    # truncated normal init, std=1.0 (matches nn.init.trunc_normal_ default range [-2, 2])
    weight = jax.random.truncated_normal(k2, -2.0, 2.0, (NUM_EMBEDDINGS, EMBEDDING_DIM), dtype=jnp.float32)
    return {"x": x, "weight": weight}

def reference(x, weight):
    # Embedding lookup: weight[x] -> gather rows
    return jnp.take(weight, x, axis=0)

if __name__ == "__main__":
    import jax
    _d = setup_inputs()
    print(jax.jit(kernel)(*tuple(_d.values())))

</pallas_src>

<mosaic_0001>
#map = affine_map<(d0, d1) -> (0, 0)>
#map1 = affine_map<(d0, d1) -> (0, 0, 0)>
module attributes {stable_mosaic.version = 14 : i64} {
  func.func @transpose_kernel(%arg0: i32, %arg1: i32, %arg2: memref<32x1000000xf32, #tpu.memory_space<hbm>>, %arg3: memref<31252x8x128xf32, #tpu.memory_space<hbm>>, %arg4: memref<2x32x129xf32, #tpu.memory_space<vmem>>, %arg5: memref<2x4x8x128xf32, #tpu.memory_space<vmem>>, %arg6: memref<!tpu.dma_semaphore, #tpu.memory_space<semaphore_mem>>, %arg7: memref<!tpu.dma_semaphore, #tpu.memory_space<semaphore_mem>>, %arg8: memref<!tpu.dma_semaphore, #tpu.memory_space<semaphore_mem>>, %arg9: memref<!tpu.dma_semaphore, #tpu.memory_space<semaphore_mem>>) attributes {dimension_semantics = [#tpu.dimension_semantics<core_parallel>, #tpu.dimension_semantics<subcore_parallel>], iteration_bounds = array<i64: 2, 16>, scalar_prefetch = 0 : i64, scratch_operands = 6 : i64, tpu.core_type = #tpu.core_type<sc_vector_subcore>, window_params = [{transform_indices = #map}, {transform_indices = #map1}]} {
    %mul3A = arith.constant 2 : i32
    %mul3A_0 = arith.muli %arg1, %mul3A : i32
    %add3A = arith.addi %mul3A_0, %arg0 : i32
    %add3A_1 = arith.constant 0 : i32
    %add3A_2 = arith.addi %add3A_1, %add3A : i32
    %lt3A = arith.constant 7813 : i32
    %lt3A_3 = arith.cmpi slt, %add3A_2, %lt3A : i32
    %convert_element_type3A = arith.extui %lt3A_3 : i1 to i32
    %cond3A = arith.constant 0 : i32
    %cond3A_4 = arith.cmpi ne, %convert_element_type3A, %cond3A : i32
    scf.if %cond3A_4 {
      %mul3A_48 = arith.constant 1 : i32
      %mul3A_49 = arith.muli %add3A_2, %mul3A_48 : i32
      %mul3A_50 = arith.constant 128 : i32
      %mul3A_51 = arith.muli %mul3A_49, %mul3A_50 : i32
      %multiple_of3A = tpu.assume_multiple %mul3A_51, 128 : i32
      %dma_start3A = arith.constant 0 : i32
      %dma_start3A_52 = arith.constant 0 : i32
      %dma_start3A_53 = arith.constant 0 : i32
      %dma_start3A_54 = tpu.memref_slice %arg4[%dma_start3A, %dma_start3A_52, %dma_start3A_53] : memref<2x32x129xf32, #tpu.memory_space<vmem>> -> memref<1x32x128xf32, #tpu.memory_space<vmem>>
      %dma_start3A_55 = tpu.memref_squeeze %dma_start3A_54 : memref<1x32x128xf32, #tpu.memory_space<vmem>> -> memref<32x128xf32, #tpu.memory_space<vmem>>
      %dma_start3A_56 = arith.constant 0 : i32
      %dma_start3A_57 = tpu.memref_slice %arg2[%dma_start3A_56, %multiple_of3A] : memref<32x1000000xf32, #tpu.memory_space<hbm>> -> memref<32x128xf32, #tpu.memory_space<hbm>>
      %dma_start3A_58 = arith.constant 0 : i32
      %dma_start3A_59 = arith.constant 0 : i32
      %dma_start3A_60 = tpu.memref_slice %arg4[%dma_start3A, %dma_start3A_58, %dma_start3A_59] : memref<2x32x129xf32, #tpu.memory_space<vmem>> -> memref<1x32x128xf32, #tpu.memory_space<vmem>>
      %dma_start3A_61 = tpu.memref_squeeze %dma_start3A_60 : memref<1x32x128xf32, #tpu.memory_space<vmem>> -> memref<32x128xf32, #tpu.memory_space<vmem>>
      %dma_start3A_62 = arith.constant 0 : i32
      %dma_start3A_63 = tpu.memref_slice %arg2[%dma_start3A_62, %multiple_of3A] : memref<32x1000000xf32, #tpu.memory_space<hbm>> -> memref<32x128xf32, #tpu.memory_space<hbm>>
      tpu.enqueue_dma source(%dma_start3A_63 : memref<32x128xf32, #tpu.memory_space<hbm>>) target(%dma_start3A_61 : memref<32x128xf32, #tpu.memory_space<vmem>>) target_semaphore(%arg6 : memref<!tpu.dma_semaphore, #tpu.memory_space<semaphore_mem>>)
    } else {
    }
    %scan3A = arith.constant 0 : i32
    %scan3A_5 = arith.constant 0 : i32
    %scan3A_6 = arith.constant 123 : i32
    %scan3A_7 = arith.addi %scan3A_5, %scan3A_6 : i32
    %scan3A_8 = arith.constant 1 : i32
    %scan3A_9 = scf.for %scan3A_48 = %scan3A_5 to %scan3A_7 step %scan3A_8 iter_args(%scan3A_49 = %scan3A) -> (i32)  : i32 {
      %mul3A_50 = arith.constant 2 : i32
      %mul3A_51 = arith.muli %mul3A_50, %scan3A_48 : i32
      %add3A_52 = arith.constant 0 : i32
      %add3A_53 = arith.addi %mul3A_51, %add3A_52 : i32
      %mul3A_54 = arith.constant 32 : i32
      %mul3A_55 = arith.muli %add3A_53, %mul3A_54 : i32
      %add3A_56 = arith.addi %mul3A_55, %add3A : i32
      %add3A_57 = arith.constant 1 : i32
      %add3A_58 = arith.addi %add3A_53, %add3A_57 : i32
      %mul3A_59 = arith.constant 32 : i32
      %mul3A_60 = arith.muli %add3A_58, %mul3A_59 : i32
      %add3A_61 = arith.addi %mul3A_60, %add3A : i32
      %lt3A_62 = arith.constant 7813 : i32
      %lt3A_63 = arith.cmpi slt, %add3A_61, %lt3A_62 : i32
      %convert_element_type3A_64 = arith.extui %lt3A_63 : i1 to i32
      %cond3A_65 = arith.constant 0 : i32
      %cond3A_66 = arith.cmpi ne, %convert_element_type3A_64, %cond3A_65 : i32
      scf.if %cond3A_66 {
        %mul3A_95 = arith.constant 1 : i32
        %mul3A_96 = arith.muli %add3A_61, %mul3A_95 : i32
        %mul3A_97 = arith.constant 128 : i32
        %mul3A_98 = arith.muli %mul3A_96, %mul3A_97 : i32
        %multiple_of3A = tpu.assume_multiple %mul3A_98, 128 : i32
        %dma_start3A = arith.constant 1 : i32
        %dma_start3A_99 = arith.constant 0 : i32
        %dma_start3A_100 = arith.constant 0 : i32
        %dma_start3A_101 = tpu.memref_slice %arg4[%dma_start3A, %dma_start3A_99, %dma_start3A_100] : memref<2x32x129xf32, #tpu.memory_space<vmem>> -> memref<1x32x128xf32, #tpu.memory_space<vmem>>
        %dma_start3A_102 = tpu.memref_squeeze %dma_start3A_101 : memref<1x32x128xf32, #tpu.memory_space<vmem>> -> memref<32x128xf32, #tpu.memory_space<vmem>>
        %dma_start3A_103 = arith.constant 0 : i32
        %dma_start3A_104 = tpu.memref_slice %arg2[%dma_start3A_103, %multiple_of3A] : memref<32x1000000xf32, #tpu.memory_space<hbm>> -> memref<32x128xf32, #tpu.memory_space<hbm>>
        %dma_start3A_105 = arith.constant 0 : i32
        %dma_start3A_106 = arith.constant 0 : i32
        %dma_start3A_107 = tpu.memref_slice %arg4[%dma_start3A, %dma_start3A_105, %dma_start3A_106] : memref<2x32x129xf32, #tpu.memory_space<vmem>> -> memref<1x32x128xf32, #tpu.memory_space<vmem>>
        %dma_start3A_108 = tpu.memref_squeeze %dma_start3A_107 : memref<1x32x128xf32, #tpu.memory_space<vmem>> -> memref<32x128xf32, #tpu.memory_space<vmem>>
        %dma_start3A_109 = arith.constant 0 : i32
        %dma_start3A_110 = tpu.memref_slice %arg2[%dma_start3A_109, %multiple_of3A] : memref<32x1000000xf32, #tpu.memory_space<hbm>> -> memref<32x128xf32, #tpu.memory_space<hbm>>
        tpu.enqueue_dma source(%dma_start3A_110 : memref<32x128xf32, #tpu.memory_space<hbm>>) target(%dma_start3A_108 : memref<32x128xf32, #tpu.memory_space<vmem>>) target_semaphore(%arg7 : memref<!tpu.dma_semaphore, #tpu.memory_space<semaphore_mem>>)
      } else {
      }
      %lt3A_67 = arith.constant 7813 : i32
      %lt3A_68 = arith.cmpi slt, %add3A_56, %lt3A_67 : i32
      %convert_element_type3A_69 = arith.extui %lt3A_68 : i1 to i32
      %cond3A_70 = arith.constant 0 : i32
      %cond3A_71 = arith.cmpi ne, %convert_element_type3A_69, %cond3A_70 : i32
      scf.if %cond3A_71 {
        %dma_wait3A_95 = arith.constant 0 : i32
        %dma_wait3A_96 = arith.constant 0 : i32
        %dma_wait3A_97 = arith.constant 0 : i32
        %dma_wait3A_98 = tpu.memref_slice %arg4[%dma_wait3A_95, %dma_wait3A_96, %dma_wait3A_97] : memref<2x32x129xf32, #tpu.memory_space<vmem>> -> memref<1x32x128xf32, #tpu.memory_space<vmem>>
        %dma_wait3A_99 = tpu.memref_squeeze %dma_wait3A_98 : memref<1x32x128xf32, #tpu.memory_space<vmem>> -> memref<32x128xf32, #tpu.memory_space<vmem>>
        %dma_wait3A_100 = arith.constant 0 : i32
        %dma_wait3A_101 = arith.constant 0 : i32
        %dma_wait3A_102 = tpu.memref_slice %arg2[%dma_wait3A_100, %dma_wait3A_101] : memref<32x1000000xf32, #tpu.memory_space<hbm>> -> memref<32x128xf32, #tpu.memory_space<hbm>>
        %dma_wait3A_103 = arith.constant 0 : i32
        %dma_wait3A_104 = arith.constant 0 : i32
        %dma_wait3A_105 = tpu.memref_slice %arg4[%dma_wait3A_95, %dma_wait3A_103, %dma_wait3A_104] : memref<2x32x129xf32, #tpu.memory_space<vmem>> -> memref<1x32x128xf32, #tpu.memory_space<vmem>>
        %dma_wait3A_106 = tpu.memref_squeeze %dma_wait3A_105 : memref<1x32x128xf32, #tpu.memory_space<vmem>> -> memref<32x128xf32, #tpu.memory_space<vmem>>
        %dma_wait3A_107 = arith.constant 0 : i32
        %dma_wait3A_108 = arith.constant 0 : i32
        %dma_wait3A_109 = tpu.memref_slice %arg2[%dma_wait3A_107, %dma_wait3A_108] : memref<32x1000000xf32, #tpu.memory_space<hbm>> -> memref<32x128xf32, #tpu.memory_space<hbm>>
        tpu.wait_dma2 semaphore(%arg6 : memref<!tpu.dma_semaphore, #tpu.memory_space<semaphore_mem>>) src(%dma_wait3A_109 : memref<32x128xf32, #tpu.memory_space<hbm>>) dst(%dma_wait3A_106 : memref<32x128xf32, #tpu.memory_space<vmem>>)
        %ge3A = arith.constant 2 : i32
        %ge3A_110 = arith.cmpi sge, %add3A_53, %ge3A : i32
        %convert_element_type3A_111 = arith.extui %ge3A_110 : i1 to i32
        %cond3A_112 = arith.constant 0 : i32
        %cond3A_113 = arith.cmpi ne, %convert_element_type3A_111, %cond3A_112 : i32
        scf.if %cond3A_113 {
          %dma_wait3A_139 = arith.constant 0 : i32
          %dma_wait3A_140 = arith.constant 0 : i32
          %dma_wait3A_141 = arith.constant 0 : i32
          %dma_wait3A_142 = arith.constant 0 : i32
          %dma_wait3A_143 = tpu.memref_slice %arg5[%dma_wait3A_139, %dma_wait3A_140, %dma_wait3A_141, %dma_wait3A_142] : memref<2x4x8x128xf32, #tpu.memory_space<vmem>> -> memref<1x4x8x128xf32, #tpu.memory_space<vmem>>
          %dma_wait3A_144 = tpu.memref_squeeze %dma_wait3A_143 : memref<1x4x8x128xf32, #tpu.memory_space<vmem>> -> memref<4x8x128xf32, #tpu.memory_space<vmem>>
          %dma_wait3A_145 = arith.constant 0 : i32
          %dma_wait3A_146 = arith.constant 0 : i32
          %dma_wait3A_147 = arith.constant 0 : i32
          %dma_wait3A_148 = tpu.memref_slice %arg3[%dma_wait3A_145, %dma_wait3A_146, %dma_wait3A_147] : memref<31252x8x128xf32, #tpu.memory_space<hbm>> -> memref<4x8x128xf32, #tpu.memory_space<hbm>>
          %dma_wait3A_149 = arith.constant 0 : i32
          %dma_wait3A_150 = arith.constant 0 : i32
          %dma_wait3A_151 = arith.constant 0 : i32
          %dma_wait3A_152 = tpu.memref_slice %arg3[%dma_wait3A_149, %dma_wait3A_150, %dma_wait3A_151] : memref<31252x8x128xf32, #tpu.memory_space<hbm>> -> memref<4x8x128xf32, #tpu.memory_space<hbm>>
          %dma_wait3A_153 = arith.constant 0 : i32
          %dma_wait3A_154 = arith.constant 0 : i32
          %dma_wait3A_155 = arith.constant 0 : i32
          %dma_wait3A_156 = tpu.memref_slice %arg5[%dma_wait3A_139, %dma_wait3A_153, %dma_wait3A_154, %dma_wait3A_155] : memref<2x4x8x128xf32, #tpu.memory_space<vmem>> -> memref<1x4x8x128xf32, #tpu.memory_space<vmem>>
          %dma_wait3A_157 = tpu.memref_squeeze %dma_wait3A_156 : memref<1x4x8x128xf32, #tpu.memory_space<vmem>> -> memref<4x8x128xf32, #tpu.memory_space<vmem>>
          tpu.wait_dma2 semaphore(%arg8 : memref<!tpu.dma_semaphore, #tpu.memory_space<semaphore_mem>>) src(%dma_wait3A_157 : memref<4x8x128xf32, #tpu.memory_space<vmem>>) dst(%dma_wait3A_152 : memref<4x8x128xf32, #tpu.memory_space<hbm>>)
        } else {
        }
        %iota3A = tpu.iota {dimensions = array<i32: 0>} : vector<16xi32>
        %add3A_114 = arith.constant 16 : i32
        %add3A_115 = vector.broadcast %add3A_114 : i32 to vector<16xi32>
        %add3A_116 = arith.addi %add3A_115, %iota3A : vector<16xi32>
        %parallel_loop3A = arith.constant 0 : i32
        %parallel_loop3A_117 = arith.constant 128 : i32
        %parallel_loop3A_118 = arith.constant 1 : i32
        %parallel_loop3A_119 = arith.constant 0 : i32
        %parallel_loop3A_120 = arith.constant 0 : i32
        scf.for %parallel_loop3A_139 = %parallel_loop3A to %parallel_loop3A_117 step %parallel_loop3A_118  : i32 {
          %parallel_loop3A_140 = vector.broadcast %parallel_loop3A_139 : i32 to vector<16xi32>
          %parallel_loop3A_141 = arith.constant 5 : i32
          %parallel_loop3A_142 = arith.shrui %parallel_loop3A_139, %parallel_loop3A_141 : i32
          %parallel_loop3A_143 = arith.constant 2 : i32
          %parallel_loop3A_144 = arith.shrui %parallel_loop3A_139, %parallel_loop3A_143 : i32
          %parallel_loop3A_145 = arith.constant 7 : i32
          %parallel_loop3A_146 = arith.andi %parallel_loop3A_144, %parallel_loop3A_145 : i32
          %parallel_loop3A_147 = arith.constant 3 : i32
          %parallel_loop3A_148 = arith.andi %parallel_loop3A_139, %parallel_loop3A_147 : i32
          %parallel_loop3A_149 = arith.constant 5 : i32
          %parallel_loop3A_150 = arith.shli %parallel_loop3A_148, %parallel_loop3A_149 : i32
          %parallel_loop3A_151 = arith.constant 0 : i32
          %parallel_loop3A_152 = arith.constant 0 : i32
          %parallel_loop3A_153 = tpu.memref_slice %arg4[%parallel_loop3A_119, %parallel_loop3A_151, %parallel_loop3A_152] : memref<2x32x129xf32, #tpu.memory_space<vmem>> -> memref<1x32x129xf32, #tpu.memory_space<vmem>>
          %parallel_loop3A_154 = tpu.memref_squeeze %parallel_loop3A_153 : memref<1x32x129xf32, #tpu.memory_space<vmem>> -> memref<32x129xf32, #tpu.memory_space<vmem>>
          %parallel_loop3A_155 = tpu.vector_load_idx %parallel_loop3A_154[%iota3A, %parallel_loop3A_140] : memref<32x129xf32, #tpu.memory_space<vmem>>[vector<16xi32>, vector<16xi32>], vector<16xf32>,
          %parallel_loop3A_156 = arith.constant 0 : i32
          %parallel_loop3A_157 = arith.addi %parallel_loop3A_150, %parallel_loop3A_156 : i32
          %parallel_loop3A_158 = arith.constant 0 : i32
          %parallel_loop3A_159 = arith.constant 0 : i32
          %parallel_loop3A_160 = arith.constant 0 : i32
          %parallel_loop3A_161 = tpu.memref_slice %arg5[%parallel_loop3A_120, %parallel_loop3A_158, %parallel_loop3A_159, %parallel_loop3A_160] : memref<2x4x8x128xf32, #tpu.memory_space<vmem>> -> memref<1x4x8x128xf32, #tpu.memory_space<vmem>>
          %parallel_loop3A_162 = tpu.memref_squeeze %parallel_loop3A_161 : memref<1x4x8x128xf32, #tpu.memory_space<vmem>> -> memref<4x8x128xf32, #tpu.memory_space<vmem>>
          %parallel_loop3A_163 = arith.index_cast %parallel_loop3A_142 : i32 to index
          %parallel_loop3A_164 = arith.index_cast %parallel_loop3A_146 : i32 to index
          %parallel_loop3A_165 = arith.index_cast %parallel_loop3A_157 : i32 to index
          %parallel_loop3A_166 = tpu.vector_load %parallel_loop3A_162[%parallel_loop3A_163, %parallel_loop3A_164, %parallel_loop3A_165] {strides = array<i32>} : memref<4x8x128xf32, #tpu.memory_space<vmem>>, vector<16xf32>,
          tpu.vector_store %parallel_loop3A_162[%parallel_loop3A_163, %parallel_loop3A_164, %parallel_loop3A_165], %parallel_loop3A_155 {strides = array<i32>} : memref<4x8x128xf32, #tpu.memory_space<vmem>>, vector<16xf32>,
          %parallel_loop3A_167 = arith.constant 0 : i32
          %parallel_loop3A_168 = arith.constant 0 : i32
          %parallel_loop3A_169 = tpu.memref_slice %arg4[%parallel_loop3A_119, %parallel_loop3A_167, %parallel_loop3A_168] : memref<2x32x129xf32, #tpu.memory_space<vmem>> -> memref<1x32x129xf32, #tpu.memory_space<vmem>>
          %parallel_loop3A_170 = tpu.memref_squeeze %parallel_loop3A_169 : memref<1x32x129xf32, #tpu.memory_space<vmem>> -> memref<32x129xf32, #tpu.memory_space<vmem>>
          %parallel_loop3A_171 = tpu.vector_load_idx %parallel_loop3A_170[%add3A_116, %parallel_loop3A_140] : memref<32x129xf32, #tpu.memory_space<vmem>>[vector<16xi32>, vector<16xi32>], vector<16xf32>,
          %parallel_loop3A_172 = arith.constant 16 : i32
          %parallel_loop3A_173 = arith.addi %parallel_loop3A_150, %parallel_loop3A_172 : i32
          %parallel_loop3A_174 = arith.constant 0 : i32
          %parallel_loop3A_175 = arith.constant 0 : i32
          %parallel_loop3A_176 = arith.constant 0 : i32
          %parallel_loop3A_177 = tpu.memref_slice %arg5[%parallel_loop3A_120, %parallel_loop3A_174, %parallel_loop3A_175, %parallel_loop3A_176] : memref<2x4x8x128xf32, #tpu.memory_space<vmem>> -> memref<1x4x8x128xf32, #tpu.memory_space<vmem>>
          %parallel_loop3A_178 = tpu.memref_squeeze %parallel_loop3A_177 : memref<1x4x8x128xf32, #tpu.memory_space<vmem>> -> memref<4x8x128xf32, #tpu.memory_space<vmem>>
          %parallel_loop3A_179 = arith.index_cast %parallel_loop3A_142 : i32 to index
          %parallel_loop3A_180 = arith.index_cast %parallel_loop3A_146 : i32 to index
          %parallel_loop3A_181 = arith.index_cast %parallel_loop3A_173 : i32 to index
          %parallel_loop3A_182 = tpu.vector_load %parallel_loop3A_178[%parallel_loop3A_179, %parallel_loop3A_180, %parallel_loop3A_181] {strides = array<i32>} : memref<4x8x128xf32, #tpu.memory_space<vmem>>, vector<16xf32>,
          tpu.vector_store %parallel_loop3A_178[%parallel_loop3A_179, %parallel_loop3A_180, %parallel_loop3A_181], %parallel_loop3A_171 {strides = array<i32>} : memref<4x8x128xf32, #tpu.memory_space<vmem>>, vector<16xf32>,
        } {sc.loop_unroll_factor = 8 : i64, sc.parallel_access}
        %mul3A_121 = arith.constant 4 : i32
        %mul3A_122 = arith.muli %mul3A_121, %add3A_56 : i32
        %dma_start3A = arith.constant 0 : i32
        %dma_start3A_123 = arith.constant 0 : i32
        %dma_start3A_124 = arith.constant 0 : i32
        %dma_start3A_125 = arith.constant 0 : i32
        %dma_start3A_126 = tpu.memref_slice %arg5[%dma_start3A, %dma_start3A_123, %dma_start3A_124, %dma_start3A_125] : memref<2x4x8x128xf32, #tpu.memory_space<vmem>> -> memref<1x4x8x128xf32, #tpu.memory_space<vmem>>
        %dma_start3A_127 = tpu.memref_squeeze %dma_start3A_126 : memref<1x4x8x128xf32, #tpu.memory_space<vmem>> -> memref<4x8x128xf32, #tpu.memory_space<vmem>>
        %dma_start3A_128 = arith.constant 0 : i32
        %dma_start3A_129 = arith.constant 0 : i32
        %dma_start3A_130 = tpu.memref_slice %arg3[%mul3A_122, %dma_start3A_128, %dma_start3A_129] : memref<31252x8x128xf32, #tpu.memory_space<hbm>> -> memref<4x8x128xf32, #tpu.memory_space<hbm>>
        %dma_start3A_131 = arith.constant 0 : i32
        %dma_start3A_132 = arith.constant 0 : i32
        %dma_start3A_133 = tpu.memref_slice %arg3[%mul3A_122, %dma_start3A_131, %dma_start3A_132] : memref<31252x8x128xf32, #tpu.memory_space<hbm>> -> memref<4x8x128xf32, #tpu.memory_space<hbm>>
        %dma_start3A_134 = arith.constant 0 : i32
        %dma_start3A_135 = arith.constant 0 : i32
        %dma_start3A_136 = arith.constant 0 : i32
        %dma_start3A_137 = tpu.memref_slice %arg5[%dma_start3A, %dma_start3A_134, %dma_start3A_135, %dma_start3A_136] : memref<2x4x8x128xf32, #tpu.memory_space<vmem>> -> memref<1x4x8x128xf32, #tpu.memory_space<vmem>>
        %dma_start3A_138 = tpu.memref_squeeze %dma_start3A_137 : memref<1x4x8x128xf32, #tpu.memory_space<vmem>> -> memref<4x8x128xf32, #tpu.memory_space<vmem>>
        tpu.enqueue_dma source(%dma_start3A_138 : memref<4x8x128xf32, #tpu.memory_space<vmem>>) target(%dma_start3A_133 : memref<4x8x128xf32, #tpu.memory_space<hbm>>) target_semaphore(%arg8 : memref<!tpu.dma_semaphore, #tpu.memory_space<semaphore_mem>>)
      } else {
      }
      %mul3A_72 = arith.constant 2 : i32
      %mul3A_73 = arith.muli %mul3A_72, %scan3A_48 : i32
      %add3A_74 = arith.constant 1 : i32
      %add3A_75 = arith.addi %mul3A_73, %add3A_74 : i32
      %mul3A_76 = arith.constant 32 : i32
      %mul3A_77 = arith.muli %add3A_75, %mul3A_76 : i32
      %add3A_78 = arith.addi %mul3A_77, %add3A : i32
      %add3A_79 = arith.constant 1 : i32
      %add3A_80 = arith.addi %add3A_75, %add3A_79 : i32
      %mul3A_81 = arith.constant 32 : i32
      %mul3A_82 = arith.muli %add3A_80, %mul3A_81 : i32
      %add3A_83 = arith.addi %mul3A_82, %add3A : i32
      %lt3A_84 = arith.constant 7813 : i32
      %lt3A_85 = arith.cmpi slt, %add3A_83, %lt3A_84 : i32
      %convert_element_type3A_86 = arith.extui %lt3A_85 : i1 to i32
      %cond3A_87 = arith.constant 0 : i32
      %cond3A_88 = arith.cmpi ne, %convert_element_type3A_86, %cond3A_87 : i32
      scf.if %cond3A_88 {
        %mul3A_95 = arith.constant 1 : i32
        %mul3A_96 = arith.muli %add3A_83, %mul3A_95 : i32
        %mul3A_97 = arith.constant 128 : i32
        %mul3A_98 = arith.muli %mul3A_96, %mul3A_97 : i32
        %multiple_of3A = tpu.assume_multiple %mul3A_98, 128 : i32
        %dma_start3A = arith.constant 0 : i32
        %dma_start3A_99 = arith.constant 0 : i32
        %dma_start3A_100 = arith.constant 0 : i32
        %dma_start3A_101 = tpu.memref_slice %arg4[%dma_start3A, %dma_start3A_99, %dma_start3A_100] : memref<2x32x129xf32, #tpu.memory_space<vmem>> -> memref<1x32x128xf32, #tpu.memory_space<vmem>>
        %dma_start3A_102 = tpu.memref_squeeze %dma_start3A_101 : memref<1x32x128xf32, #tpu.memory_space<vmem>> -> memref<32x128xf32, #tpu.memory_space<vmem>>
        %dma_start3A_103 = arith.constant 0 : i32
        %dma_start3A_104 = tpu.memref_slice %arg2[%dma_start3A_103, %multiple_of3A] : memref<32x1000000xf32, #tpu.memory_space<hbm>> -> memref<32x128xf32, #tpu.memory_space<hbm>>
        %dma_start3A_105 = arith.constant 0 : i32
        %dma_start3A_106 = arith.constant 0 : i32
        %dma_start3A_107 = tpu.memref_slice %arg4[%dma_start3A, %dma_start3A_105, %dma_start3A_106] : memref<2x32x129xf32, #tpu.memory_space<vmem>> -> memref<1x32x128xf32, #tpu.memory_space<vmem>>
        %dma_start3A_108 = tpu.memref_squeeze %dma_start3A_107 : memref<1x32x128xf32, #tpu.memory_space<vmem>> -> memref<32x128xf32, #tpu.memory_space<vmem>>
        %dma_start3A_109 = arith.constant 0 : i32
        %dma_start3A_110 = tpu.memref_slice %arg2[%dma_start3A_109, %multiple_of3A] : memref<32x1000000xf32, #tpu.memory_space<hbm>> -> memref<32x128xf32, #tpu.memory_space<hbm>>
        tpu.enqueue_dma source(%dma_start3A_110 : memref<32x128xf32, #tpu.memory_space<hbm>>) target(%dma_start3A_108 : memref<32x128xf32, #tpu.memory_space<vmem>>) target_semaphore(%arg6 : memref<!tpu.dma_semaphore, #tpu.memory_space<semaphore_mem>>)
      } else {
      }
      %lt3A_89 = arith.constant 7813 : i32
      %lt3A_90 = arith.cmpi slt, %add3A_78, %lt3A_89 : i32
      %convert_element_type3A_91 = arith.extui %lt3A_90 : i1 to i32
      %cond3A_92 = arith.constant 0 : i32
      %cond3A_93 = arith.cmpi ne, %convert_element_type3A_91, %cond3A_92 : i32
      scf.if %cond3A_93 {
        %dma_wait3A_95 = arith.constant 1 : i32
        %dma_wait3A_96 = arith.constant 0 : i32
        %dma_wait3A_97 = arith.constant 0 : i32
        %dma_wait3A_98 = tpu.memref_slice %arg4[%dma_wait3A_95, %dma_wait3A_96, %dma_wait3A_97] : memref<2x32x129xf32, #tpu.memory_space<vmem>> -> memref<1x32x128xf32, #tpu.memory_space<vmem>>
        %dma_wait3A_99 = tpu.memref_squeeze %dma_wait3A_98 : memref<1x32x128xf32, #tpu.memory_space<vmem>> -> memref<32x128xf32, #tpu.memory_space<vmem>>
        %dma_wait3A_100 = arith.constant 0 : i32
        %dma_wait3A_101 = arith.constant 0 : i32
        %dma_wait3A_102 = tpu.memref_slice %arg2[%dma_wait3A_100, %dma_wait3A_101] : memref<32x1000000xf32, #tpu.memory_space<hbm>> -> memref<32x128xf32, #tpu.memory_space<hbm>>
        %dma_wait3A_103 = arith.constant 0 : i32
        %dma_wait3A_104 = arith.constant 0 : i32
        %dma_wait3A_105 = tpu.memref_slice %arg4[%dma_wait3A_95, %dma_wait3A_103, %dma_wait3A_104] : memref<2x32x129xf32, #tpu.memory_space<vmem>> -> memref<1x32x128xf32, #tpu.memory_space<vmem>>
        %dma_wait3A_106 = tpu.memref_squeeze %dma_wait3A_105 : memref<1x32x128xf32, #tpu.memory_space<vmem>> -> memref<32x128xf32, #tpu.memory_space<vmem>>
        %dma_wait3A_107 = arith.constant 0 : i32
        %dma_wait3A_108 = arith.constant 0 : i32
        %dma_wait3A_109 = tpu.memref_slice %arg2[%dma_wait3A_107, %dma_wait3A_108] : memref<32x1000000xf32, #tpu.memory_space<hbm>> -> memref<32x128xf32, #tpu.memory_space<hbm>>
        tpu.wait_dma2 semaphore(%arg7 : memref<!tpu.dma_semaphore, #tpu.memory_space<semaphore_mem>>) src(%dma_wait3A_109 : memref<32x128xf32, #tpu.memory_space<hbm>>) dst(%dma_wait3A_106 : memref<32x128xf32, #tpu.memory_space<vmem>>)
        %ge3A = arith.constant 2 : i32
        %ge3A_110 = arith.cmpi sge, %add3A_75, %ge3A : i32
        %convert_element_type3A_111 = arith.extui %ge3A_110 : i1 to i32
        %cond3A_112 = arith.constant 0 : i32
        %cond3A_113 = arith.cmpi ne, %convert_element_type3A_111, %cond3A_112 : i32
        scf.if %cond3A_113 {
          %dma_wait3A_139 = arith.constant 1 : i32
          %dma_wait3A_140 = arith.constant 0 : i32
          %dma_wait3A_141 = arith.constant 0 : i32
          %dma_wait3A_142 = arith.constant 0 : i32
          %dma_wait3A_143 = tpu.memref_slice %arg5[%dma_wait3A_139, %dma_wait3A_140, %dma_wait3A_141, %dma_wait3A_142] : memref<2x4x8x128xf32, #tpu.memory_space<vmem>> -> memref<1x4x8x128xf32, #tpu.memory_space<vmem>>
          %dma_wait3A_144 = tpu.memref_squeeze %dma_wait3A_143 : memref<1x4x8x128xf32, #tpu.memory_space<vmem>> -> memref<4x8x128xf32, #tpu.memory_space<vmem>>
          %dma_wait3A_145 = arith.constant 0 : i32
          %dma_wait3A_146 = arith.constant 0 : i32
          %dma_wait3A_147 = arith.constant 0 : i32
          %dma_wait3A_148 = tpu.memref_slice %arg3[%dma_wait3A_145, %dma_wait3A_146, %dma_wait3A_147] : memref<31252x8x128xf32, #tpu.memory_space<hbm>> -> memref<4x8x128xf32, #tpu.memory_space<hbm>>
          %dma_wait3A_149 = arith.constant 0 : i32
          %dma_wait3A_150 = arith.constant 0 : i32
          %dma_wait3A_151 = arith.constant 0 : i32
          %dma_wait3A_152 = tpu.memref_slice %arg3[%dma_wait3A_149, %dma_wait3A_150, %dma_wait3A_151] : memref<31252x8x128xf32, #tpu.memory_space<hbm>> -> memref<4x8x128xf32, #tpu.memory_space<hbm>>
          %dma_wait3A_153 = arith.constant 0 : i32
          %dma_wait3A_154 = arith.constant 0 : i32
          %dma_wait3A_155 = arith.constant 0 : i32
          %dma_wait3A_156 = tpu.memref_slice %arg5[%dma_wait3A_139, %dma_wait3A_153, %dma_wait3A_154, %dma_wait3A_155] : memref<2x4x8x128xf32, #tpu.memory_space<vmem>> -> memref<1x4x8x128xf32, #tpu.memory_space<vmem>>
          %dma_wait3A_157 = tpu.memref_squeeze %dma_wait3A_156 : memref<1x4x8x128xf32, #tpu.memory_space<vmem>> -> memref<4x8x128xf32, #tpu.memory_space<vmem>>
          tpu.wait_dma2 semaphore(%arg9 : memref<!tpu.dma_semaphore, #tpu.memory_space<semaphore_mem>>) src(%dma_wait3A_157 : memref<4x8x128xf32, #tpu.memory_space<vmem>>) dst(%dma_wait3A_152 : memref<4x8x128xf32, #tpu.memory_space<hbm>>)
        } else {
        }
        %iota3A = tpu.iota {dimensions = array<i32: 0>} : vector<16xi32>
        %add3A_114 = arith.constant 16 : i32
        %add3A_115 = vector.broadcast %add3A_114 : i32 to vector<16xi32>
        %add3A_116 = arith.addi %add3A_115, %iota3A : vector<16xi32>
        %parallel_loop3A = arith.constant 0 : i32
        %parallel_loop3A_117 = arith.constant 128 : i32
        %parallel_loop3A_118 = arith.constant 1 : i32
        %parallel_loop3A_119 = arith.constant 1 : i32
        %parallel_loop3A_120 = arith.constant 1 : i32
        scf.for %parallel_loop3A_139 = %parallel_loop3A to %parallel_loop3A_117 step %parallel_loop3A_118  : i32 {
          %parallel_loop3A_140 = vector.broadcast %parallel_loop3A_139 : i32 to vector<16xi32>
          %parallel_loop3A_141 = arith.constant 5 : i32
          %parallel_loop3A_142 = arith.shrui %parallel_loop3A_139, %parallel_loop3A_141 : i32
          %parallel_loop3A_143 = arith.constant 2 : i32
          %parallel_loop3A_144 = arith.shrui %parallel_loop3A_139, %parallel_loop3A_143 : i32
          %parallel_loop3A_145 = arith.constant 7 : i32
          %parallel_loop3A_146 = arith.andi %parallel_loop3A_144, %parallel_loop3A_145 : i32
          %parallel_loop3A_147 = arith.constant 3 : i32
          %parallel_loop3A_148 = arith.andi %parallel_loop3A_139, %parallel_loop3A_147 : i32
          %parallel_loop3A_149 = arith.constant 5 : i32
          %parallel_loop3A_150 = arith.shli %parallel_loop3A_148, %parallel_loop3A_149 : i32
          %parallel_loop3A_151 = arith.constant 0 : i32
          %parallel_loop3A_152 = arith.constant 0 : i32
          %parallel_loop3A_153 = tpu.memref_slice %arg4[%parallel_loop3A_119, %parallel_loop3A_151, %parallel_loop3A_152] : memref<2x32x129xf32, #tpu.memory_space<vmem>> -> memref<1x32x129xf32, #tpu.memory_space<vmem>>
          %parallel_loop3A_154 = tpu.memref_squeeze %parallel_loop3A_153 : memref<1x32x129xf32, #tpu.memory_space<vmem>> -> memref<32x129xf32, #tpu.memory_space<vmem>>
          %parallel_loop3A_155 = tpu.vector_load_idx %parallel_loop3A_154[%iota3A, %parallel_loop3A_140] : memref<32x129xf32, #tpu.memory_space<vmem>>[vector<16xi32>, vector<16xi32>], vector<16xf32>,
          %parallel_loop3A_156 = arith.constant 0 : i32
          %parallel_loop3A_157 = arith.addi %parallel_loop3A_150, %parallel_loop3A_156 : i32
          %parallel_loop3A_158 = arith.constant 0 : i32
          %parallel_loop3A_159 = arith.constant 0 : i32
          %parallel_loop3A_160 = arith.constant 0 : i32
          %parallel_loop3A_161 = tpu.memref_slice %arg5[%parallel_loop3A_120, %parallel_loop3A_158, %parallel_loop3A_159, %parallel_loop3A_160] : memref<2x4x8x128xf32, #tpu.memory_space<vmem>> -> memref<1x4x8x128xf32, #tpu.memory_space<vmem>>
          %parallel_loop3A_162 = tpu.memref_squeeze %parallel_loop3A_161 : memref<1x4x8x128xf32, #tpu.memory_space<vmem>> -> memref<4x8x128xf32, #tpu.memory_space<vmem>>
          %parallel_loop3A_163 = arith.index_cast %parallel_loop3A_142 : i32 to index
          %parallel_loop3A_164 = arith.index_cast %parallel_loop3A_146 : i32 to index
          %parallel_loop3A_165 = arith.index_cast %parallel_loop3A_157 : i32 to index
          %parallel_loop3A_166 = tpu.vector_load %parallel_loop3A_162[%parallel_loop3A_163, %parallel_loop3A_164, %parallel_loop3A_165] {strides = array<i32>} : memref<4x8x128xf32, #tpu.memory_space<vmem>>, vector<16xf32>,
          tpu.vector_store %parallel_loop3A_162[%parallel_loop3A_163, %parallel_loop3A_164, %parallel_loop3A_165], %parallel_loop3A_155 {strides = array<i32>} : memref<4x8x128xf32, #tpu.memory_space<vmem>>, vector<16xf32>,
          %parallel_loop3A_167 = arith.constant 0 : i32
          %parallel_loop3A_168 = arith.constant 0 : i32
          %parallel_loop3A_169 = tpu.memref_slice %arg4[%parallel_loop3A_119, %parallel_loop3A_167, %parallel_loop3A_168] : memref<2x32x129xf32, #tpu.memory_space<vmem>> -> memref<1x32x129xf32, #tpu.memory_space<vmem>>
          %parallel_loop3A_170 = tpu.memref_squeeze %parallel_loop3A_169 : memref<1x32x129xf32, #tpu.memory_space<vmem>> -> memref<32x129xf32, #tpu.memory_space<vmem>>
          %parallel_loop3A_171 = tpu.vector_load_idx %parallel_loop3A_170[%add3A_116, %parallel_loop3A_140] : memref<32x129xf32, #tpu.memory_space<vmem>>[vector<16xi32>, vector<16xi32>], vector<16xf32>,
          %parallel_loop3A_172 = arith.constant 16 : i32
          %parallel_loop3A_173 = arith.addi %parallel_loop3A_150, %parallel_loop3A_172 : i32
          %parallel_loop3A_174 = arith.constant 0 : i32
          %parallel_loop3A_175 = arith.constant 0 : i32
          %parallel_loop3A_176 = arith.constant 0 : i32
          %parallel_loop3A_177 = tpu.memref_slice %arg5[%parallel_loop3A_120, %parallel_loop3A_174, %parallel_loop3A_175, %parallel_loop3A_176] : memref<2x4x8x128xf32, #tpu.memory_space<vmem>> -> memref<1x4x8x128xf32, #tpu.memory_space<vmem>>
          %parallel_loop3A_178 = tpu.memref_squeeze %parallel_loop3A_177 : memref<1x4x8x128xf32, #tpu.memory_space<vmem>> -> memref<4x8x128xf32, #tpu.memory_space<vmem>>
          %parallel_loop3A_179 = arith.index_cast %parallel_loop3A_142 : i32 to index
          %parallel_loop3A_180 = arith.index_cast %parallel_loop3A_146 : i32 to index
          %parallel_loop3A_181 = arith.index_cast %parallel_loop3A_173 : i32 to index
          %parallel_loop3A_182 = tpu.vector_load %parallel_loop3A_178[%parallel_loop3A_179, %parallel_loop3A_180, %parallel_loop3A_181] {strides = array<i32>} : memref<4x8x128xf32, #tpu.memory_space<vmem>>, vector<16xf32>,
          tpu.vector_store %parallel_loop3A_178[%parallel_loop3A_179, %parallel_loop3A_180, %parallel_loop3A_181], %parallel_loop3A_171 {strides = array<i32>} : memref<4x8x128xf32, #tpu.memory_space<vmem>>, vector<16xf32>,
        } {sc.loop_unroll_factor = 8 : i64, sc.parallel_access}
        %mul3A_121 = arith.constant 4 : i32
        %mul3A_122 = arith.muli %mul3A_121, %add3A_78 : i32
        %dma_start3A = arith.constant 1 : i32
        %dma_start3A_123 = arith.constant 0 : i32
        %dma_start3A_124 = arith.constant 0 : i32
        %dma_start3A_125 = arith.constant 0 : i32
        %dma_start3A_126 = tpu.memref_slice %arg5[%dma_start3A, %dma_start3A_123, %dma_start3A_124, %dma_start3A_125] : memref<2x4x8x128xf32, #tpu.memory_space<vmem>> -> memref<1x4x8x128xf32, #tpu.memory_space<vmem>>
        %dma_start3A_127 = tpu.memref_squeeze %dma_start3A_126 : memref<1x4x8x128xf32, #tpu.memory_space<vmem>> -> memref<4x8x128xf32, #tpu.memory_space<vmem>>
        %dma_start3A_128 = arith.constant 0 : i32
        %dma_start3A_129 = arith.constant 0 : i32
        %dma_start3A_130 = tpu.memref_slice %arg3[%mul3A_122, %dma_start3A_128, %dma_start3A_129] : memref<31252x8x128xf32, #tpu.memory_space<hbm>> -> memref<4x8x128xf32, #tpu.memory_space<hbm>>
        %dma_start3A_131 = arith.constant 0 : i32
        %dma_start3A_132 = arith.constant 0 : i32
        %dma_start3A_133 = tpu.memref_slice %arg3[%mul3A_122, %dma_start3A_131, %dma_start3A_132] : memref<31252x8x128xf32, #tpu.memory_space<hbm>> -> memref<4x8x128xf32, #tpu.memory_space<hbm>>
        %dma_start3A_134 = arith.constant 0 : i32
        %dma_start3A_135 = arith.constant 0 : i32
        %dma_start3A_136 = arith.constant 0 : i32
        %dma_start3A_137 = tpu.memref_slice %arg5[%dma_start3A, %dma_start3A_134, %dma_start3A_135, %dma_start3A_136] : memref<2x4x8x128xf32, #tpu.memory_space<vmem>> -> memref<1x4x8x128xf32, #tpu.memory_space<vmem>>
        %dma_start3A_138 = tpu.memref_squeeze %dma_start3A_137 : memref<1x4x8x128xf32, #tpu.memory_space<vmem>> -> memref<4x8x128xf32, #tpu.memory_space<vmem>>
        tpu.enqueue_dma source(%dma_start3A_138 : memref<4x8x128xf32, #tpu.memory_space<vmem>>) target(%dma_start3A_133 : memref<4x8x128xf32, #tpu.memory_space<hbm>>) target_semaphore(%arg9 : memref<!tpu.dma_semaphore, #tpu.memory_space<semaphore_mem>>)
      } else {
      }
      %scan3A_94 = arith.constant 0 : i32
      scf.yield %scan3A_94 : i32
    }
    %scan3A_10 = arith.constant 123 : i32
    %dma_wait3A = arith.constant 0 : i32
    %dma_wait3A_11 = arith.constant 0 : i32
    %dma_wait3A_12 = arith.constant 0 : i32
    %dma_wait3A_13 = arith.constant 0 : i32
    %dma_wait3A_14 = tpu.memref_slice %arg5[%dma_wait3A, %dma_wait3A_11, %dma_wait3A_12, %dma_wait3A_13] : memref<2x4x8x128xf32, #tpu.memory_space<vmem>> -> memref<1x4x8x128xf32, #tpu.memory_space<vmem>>
    %dma_wait3A_15 = tpu.memref_squeeze %dma_wait3A_14 : memref<1x4x8x128xf32, #tpu.memory_space<vmem>> -> memref<4x8x128xf32, #tpu.memory_space<vmem>>
    %dma_wait3A_16 = arith.constant 0 : i32
    %dma_wait3A_17 = arith.constant 0 : i32
    %dma_wait3A_18 = arith.constant 0 : i32
    %dma_wait3A_19 = tpu.memref_slice %arg3[%dma_wait3A_16, %dma_wait3A_17, %dma_wait3A_18] : memref<31252x8x128xf32, #tpu.memory_space<hbm>> -> memref<4x8x128xf32, #tpu.memory_space<hbm>>
    %dma_wait3A_20 = arith.constant 0 : i32
    %dma_wait3A_21 = arith.constant 0 : i32
    %dma_wait3A_22 = arith.constant 0 : i32
    %dma_wait3A_23 = tpu.memref_slice %arg3[%dma_wait3A_20, %dma_wait3A_21, %dma_wait3A_22] : memref<31252x8x128xf32, #tpu.memory_space<hbm>> -> memref<4x8x128xf32, #tpu.memory_space<hbm>>
    %dma_wait3A_24 = arith.constant 0 : i32
    %dma_wait3A_25 = arith.constant 0 : i32
    %dma_wait3A_26 = arith.constant 0 : i32
    %dma_wait3A_27 = tpu.memref_slice %arg5[%dma_wait3A, %dma_wait3A_24, %dma_wait3A_25, %dma_wait3A_26] : memref<2x4x8x128xf32, #tpu.memory_space<vmem>> -> memref<1x4x8x128xf32, #tpu.memory_space<vmem>>
    %dma_wait3A_28 = tpu.memref_squeeze %dma_wait3A_27 : memref<1x4x8x128xf32, #tpu.memory_space<vmem>> -> memref<4x8x128xf32, #tpu.memory_space<vmem>>
    tpu.wait_dma2 semaphore(%arg8 : memref<!tpu.dma_semaphore, #tpu.memory_space<semaphore_mem>>) src(%dma_wait3A_28 : memref<4x8x128xf32, #tpu.memory_space<vmem>>) dst(%dma_wait3A_23 : memref<4x8x128xf32, #tpu.memory_space<hbm>>)
    %dma_wait3A_29 = arith.constant 1 : i32
    %dma_wait3A_30 = arith.constant 0 : i32
    %dma_wait3A_31 = arith.constant 0 : i32
    %dma_wait3A_32 = arith.constant 0 : i32
    %dma_wait3A_33 = tpu.memref_slice %arg5[%dma_wait3A_29, %dma_wait3A_30, %dma_wait3A_31, %dma_wait3A_32] : memref<2x4x8x128xf32, #tpu.memory_space<vmem>> -> memref<1x4x8x128xf32, #tpu.memory_space<vmem>>
    %dma_wait3A_34 = tpu.memref_squeeze %dma_wait3A_33 : memref<1x4x8x128xf32, #tpu.memory_space<vmem>> -> memref<4x8x128xf32, #tpu.memory_space<vmem>>
    %dma_wait3A_35 = arith.constant 0 : i32
    %dma_wait3A_36 = arith.constant 0 : i32
    %dma_wait3A_37 = arith.constant 0 : i32
    %dma_wait3A_38 = tpu.memref_slice %arg3[%dma_wait3A_35, %dma_wait3A_36, %dma_wait3A_37] : memref<31252x8x128xf32, #tpu.memory_space<hbm>> -> memref<4x8x128xf32, #tpu.memory_space<hbm>>
    %dma_wait3A_39 = arith.constant 0 : i32
    %dma_wait3A_40 = arith.constant 0 : i32
    %dma_wait3A_41 = arith.constant 0 : i32
    %dma_wait3A_42 = tpu.memref_slice %arg3[%dma_wait3A_39, %dma_wait3A_40, %dma_wait3A_41] : memref<31252x8x128xf32, #tpu.memory_space<hbm>> -> memref<4x8x128xf32, #tpu.memory_space<hbm>>
    %dma_wait3A_43 = arith.constant 0 : i32
    %dma_wait3A_44 = arith.constant 0 : i32
    %dma_wait3A_45 = arith.constant 0 : i32
    %dma_wait3A_46 = tpu.memref_slice %arg5[%dma_wait3A_29, %dma_wait3A_43, %dma_wait3A_44, %dma_wait3A_45] : memref<2x4x8x128xf32, #tpu.memory_space<vmem>> -> memref<1x4x8x128xf32, #tpu.memory_space<vmem>>
    %dma_wait3A_47 = tpu.memref_squeeze %dma_wait3A_46 : memref<1x4x8x128xf32, #tpu.memory_space<vmem>> -> memref<4x8x128xf32, #tpu.memory_space<vmem>>
    tpu.wait_dma2 semaphore(%arg9 : memref<!tpu.dma_semaphore, #tpu.memory_space<semaphore_mem>>) src(%dma_wait3A_47 : memref<4x8x128xf32, #tpu.memory_space<vmem>>) dst(%dma_wait3A_42 : memref<4x8x128xf32, #tpu.memory_space<hbm>>)
    return
  }
}

#map = affine_map<(d0, d1) -> (0, 0)>
#map1 = affine_map<(d0, d1) -> (0, 0, 0, 0, 0)>
module attributes {stable_mosaic.version = 14 : i64} {
  func.func @gather_kernel(%arg0: i32, %arg1: i32, %arg2: memref<1000064x32xf32, #tpu.memory_space<hbm>>, %arg3: memref<26x4096xi32, #tpu.memory_space<hbm>>, %arg4: memref<26x4x32x8x128xf32, #tpu.memory_space<hbm>>, %arg5: memref<26x128xi32, #tpu.memory_space<vmem>>, %arg6: memref<2x128x32xf32, #tpu.memory_space<vmem>>, %arg7: memref<2x4x8x128xf32, #tpu.memory_space<vmem>>, %arg8: memref<!tpu.dma_semaphore, #tpu.memory_space<semaphore_mem>>, %arg9: memref<!tpu.dma_semaphore, #tpu.memory_space<semaphore_mem>>, %arg10: memref<!tpu.dma_semaphore, #tpu.memory_space<semaphore_mem>>, %arg11: memref<!tpu.dma_semaphore, #tpu.memory_space<semaphore_mem>>, %arg12: memref<!tpu.dma_semaphore, #tpu.memory_space<semaphore_mem>>) attributes {dimension_semantics = [#tpu.dimension_semantics<core_parallel>, #tpu.dimension_semantics<subcore_parallel>], iteration_bounds = array<i64: 2, 16>, scalar_prefetch = 0 : i64, scratch_operands = 8 : i64, tpu.core_type = #tpu.core_type<sc_vector_subcore>, window_params = [{transform_indices = #map}, {transform_indices = #map}, {transform_indices = #map1}]} {
    %mul3A = arith.constant 2 : i32
    %mul3A_0 = arith.muli %arg1, %mul3A : i32
    %add3A = arith.addi %mul3A_0, %arg0 : i32
    %iota3A = tpu.iota {dimensions = array<i32: 0>} : vector<16xi32>
    %mul3A_1 = arith.constant 128 : i32
    %mul3A_2 = arith.muli %add3A, %mul3A_1 : i32
    %dma_start3A = arith.constant 0 : i32
    %dma_start3A_3 = tpu.memref_slice %arg3[%dma_start3A, %mul3A_2] : memref<26x4096xi32, #tpu.memory_space<hbm>> -> memref<26x128xi32, #tpu.memory_space<hbm>>
    %dma_start3A_4 = arith.constant 0 : i32
    %dma_start3A_5 = tpu.memref_slice %arg3[%dma_start3A_4, %mul3A_2] : memref<26x4096xi32, #tpu.memory_space<hbm>> -> memref<26x128xi32, #tpu.memory_space<hbm>>
    tpu.enqueue_dma source(%dma_start3A_5 : memref<26x128xi32, #tpu.memory_space<hbm>>) target(%arg5 : memref<26x128xi32, #tpu.memory_space<vmem>>) target_semaphore(%arg8 : memref<!tpu.dma_semaphore, #tpu.memory_space<semaphore_mem>>)
    %dma_wait3A = arith.constant 0 : i32
    %dma_wait3A_6 = tpu.memref_slice %arg3[%dma_wait3A, %mul3A_2] : memref<26x4096xi32, #tpu.memory_space<hbm>> -> memref<26x128xi32, #tpu.memory_space<hbm>>
    %dma_wait3A_7 = arith.constant 0 : i32
    %dma_wait3A_8 = tpu.memref_slice %arg3[%dma_wait3A_7, %mul3A_2] : memref<26x4096xi32, #tpu.memory_space<hbm>> -> memref<26x128xi32, #tpu.memory_space<hbm>>
    tpu.wait_dma2 semaphore(%arg8 : memref<!tpu.dma_semaphore, #tpu.memory_space<semaphore_mem>>) src(%dma_wait3A_8 : memref<26x128xi32, #tpu.memory_space<hbm>>) dst(%arg5 : memref<26x128xi32, #tpu.memory_space<vmem>>)
    %dma_start3A_9 = arith.constant 0 : i32
    %dma_start3A_10 = arith.constant 0 : i32
    %dma_start3A_11 = arith.constant 0 : i32
    %dma_start3A_12 = arith.constant 0 : i32
    %dma_start3A_13 = tpu.memref_slice %arg6[%dma_start3A_10, %dma_start3A_11, %dma_start3A_12] : memref<2x128x32xf32, #tpu.memory_space<vmem>> -> memref<1x128x32xf32, #tpu.memory_space<vmem>>
    %dma_start3A_14 = tpu.memref_squeeze %dma_start3A_13 : memref<1x128x32xf32, #tpu.memory_space<vmem>> -> memref<128x32xf32, #tpu.memory_space<vmem>>
    %dma_start3A_15 = arith.constant 0 : i32
    %dma_start3A_16 = tpu.memref_slice %arg5[%dma_start3A_9, %dma_start3A_15] : memref<26x128xi32, #tpu.memory_space<vmem>> -> memref<1x128xi32, #tpu.memory_space<vmem>>
    %dma_start3A_17 = tpu.memref_squeeze %dma_start3A_16 : memref<1x128xi32, #tpu.memory_space<vmem>> -> memref<128xi32, #tpu.memory_space<vmem>>
    %dma_start3A_18 = arith.constant 0 : i32
    %dma_start3A_19 = arith.constant 0 : i32
    %dma_start3A_20 = tpu.memref_slice %arg2[%dma_start3A_18, %dma_start3A_19] : memref<1000064x32xf32, #tpu.memory_space<hbm>> -> memref<1000064x32xf32, #tpu.memory_space<hbm>>
    tpu.enqueue_indirect_dma source(%dma_start3A_20 : memref<1000064x32xf32, #tpu.memory_space<hbm>>) target(%dma_start3A_14 : memref<128x32xf32, #tpu.memory_space<vmem>>) offsets(%dma_start3A_17 : memref<128xi32, #tpu.memory_space<vmem>>) semaphore(%arg9 : memref<!tpu.dma_semaphore, #tpu.memory_space<semaphore_mem>>)
    %scan3A = arith.constant 0 : i32
    %scan3A_21 = arith.constant 0 : i32
    %scan3A_22 = arith.constant 13 : i32
    %scan3A_23 = arith.addi %scan3A_21, %scan3A_22 : i32
    %scan3A_24 = arith.constant 1 : i32
    %scan3A_25 = scf.for %scan3A_73 = %scan3A_21 to %scan3A_23 step %scan3A_24 iter_args(%scan3A_74 = %scan3A) -> (i32)  : i32 {
      %mul3A_75 = arith.constant 2 : i32
      %mul3A_76 = arith.muli %mul3A_75, %scan3A_73 : i32
      %add3A_77 = arith.constant 0 : i32
      %add3A_78 = arith.addi %mul3A_76, %add3A_77 : i32
      %add3A_79 = arith.constant 1 : i32
      %add3A_80 = arith.addi %add3A_78, %add3A_79 : i32
      %lt3A = arith.constant 26 : i32
      %lt3A_81 = arith.cmpi slt, %add3A_80, %lt3A : i32
      %convert_element_type3A = arith.extui %lt3A_81 : i1 to i32
      %cond3A = arith.constant 0 : i32
      %cond3A_82 = arith.cmpi ne, %convert_element_type3A, %cond3A : i32
      scf.if %cond3A_82 {
        %dma_start3A_181 = arith.constant 1 : i32
        %dma_start3A_182 = arith.constant 0 : i32
        %dma_start3A_183 = arith.constant 0 : i32
        %dma_start3A_184 = tpu.memref_slice %arg6[%dma_start3A_181, %dma_start3A_182, %dma_start3A_183] : memref<2x128x32xf32, #tpu.memory_space<vmem>> -> memref<1x128x32xf32, #tpu.memory_space<vmem>>
        %dma_start3A_185 = tpu.memref_squeeze %dma_start3A_184 : memref<1x128x32xf32, #tpu.memory_space<vmem>> -> memref<128x32xf32, #tpu.memory_space<vmem>>
        %dma_start3A_186 = arith.constant 0 : i32
        %dma_start3A_187 = tpu.memref_slice %arg5[%add3A_80, %dma_start3A_186] : memref<26x128xi32, #tpu.memory_space<vmem>> -> memref<1x128xi32, #tpu.memory_space<vmem>>
        %dma_start3A_188 = tpu.memref_squeeze %dma_start3A_187 : memref<1x128xi32, #tpu.memory_space<vmem>> -> memref<128xi32, #tpu.memory_space<vmem>>
        %dma_start3A_189 = arith.constant 0 : i32
        %dma_start3A_190 = arith.constant 0 : i32
        %dma_start3A_191 = tpu.memref_slice %arg2[%dma_start3A_189, %dma_start3A_190] : memref<1000064x32xf32, #tpu.memory_space<hbm>> -> memref<1000064x32xf32, #tpu.memory_space<hbm>>
        tpu.enqueue_indirect_dma source(%dma_start3A_191 : memref<1000064x32xf32, #tpu.memory_space<hbm>>) target(%dma_start3A_185 : memref<128x32xf32, #tpu.memory_space<vmem>>) offsets(%dma_start3A_188 : memref<128xi32, #tpu.memory_space<vmem>>) semaphore(%arg10 : memref<!tpu.dma_semaphore, #tpu.memory_space<semaphore_mem>>)
      } else {
      }
      %dma_wait3A_83 = arith.constant 0 : i32
      %dma_wait3A_84 = arith.constant 0 : i32
      %dma_wait3A_85 = arith.constant 0 : i32
      %dma_wait3A_86 = tpu.memref_slice %arg6[%dma_wait3A_83, %dma_wait3A_84, %dma_wait3A_85] : memref<2x128x32xf32, #tpu.memory_space<vmem>> -> memref<1x128x32xf32, #tpu.memory_space<vmem>>
      %dma_wait3A_87 = tpu.memref_squeeze %dma_wait3A_86 : memref<1x128x32xf32, #tpu.memory_space<vmem>> -> memref<128x32xf32, #tpu.memory_space<vmem>>
      %dma_wait3A_88 = arith.constant 0 : i32
      %dma_wait3A_89 = arith.constant 0 : i32
      %dma_wait3A_90 = tpu.memref_slice %arg2[%dma_wait3A_88, %dma_wait3A_89] : memref<1000064x32xf32, #tpu.memory_space<hbm>> -> memref<128x32xf32, #tpu.memory_space<hbm>>
      %dma_wait3A_91 = arith.constant 0 : i32
      %dma_wait3A_92 = arith.constant 0 : i32
      %dma_wait3A_93 = tpu.memref_slice %arg6[%dma_wait3A_83, %dma_wait3A_91, %dma_wait3A_92] : memref<2x128x32xf32, #tpu.memory_space<vmem>> -> memref<1x128x32xf32, #tpu.memory_space<vmem>>
      %dma_wait3A_94 = tpu.memref_squeeze %dma_wait3A_93 : memref<1x128x32xf32, #tpu.memory_space<vmem>> -> memref<128x32xf32, #tpu.memory_space<vmem>>
      %dma_wait3A_95 = arith.constant 0 : i32
      %dma_wait3A_96 = arith.constant 0 : i32
      %dma_wait3A_97 = tpu.memref_slice %arg2[%dma_wait3A_95, %dma_wait3A_96] : memref<1000064x32xf32, #tpu.memory_space<hbm>> -> memref<128x32xf32, #tpu.memory_space<hbm>>
      tpu.wait_dma2 semaphore(%arg9 : memref<!tpu.dma_semaphore, #tpu.memory_space<semaphore_mem>>) src(%dma_wait3A_97 : memref<128x32xf32, #tpu.memory_space<hbm>>) dst(%dma_wait3A_94 : memref<128x32xf32, #tpu.memory_space<vmem>>)
      %ge3A = arith.constant 2 : i32
      %ge3A_98 = arith.cmpi sge, %add3A_78, %ge3A : i32
      %convert_element_type3A_99 = arith.extui %ge3A_98 : i1 to i32
      %cond3A_100 = arith.constant 0 : i32
      %cond3A_101 = arith.cmpi ne, %convert_element_type3A_99, %cond3A_100 : i32
      scf.if %cond3A_101 {
        %dma_wait3A_181 = arith.constant 0 : i32
        %dma_wait3A_182 = arith.constant 0 : i32
        %dma_wait3A_183 = arith.constant 0 : i32
        %dma_wait3A_184 = arith.constant 0 : i32
        %dma_wait3A_185 = arith.constant 0 : i32
        %dma_wait3A_186 = arith.constant 0 : i32
        %dma_wait3A_187 = tpu.memref_slice %arg7[%dma_wait3A_181, %dma_wait3A_184, %dma_wait3A_185, %dma_wait3A_186] : memref<2x4x8x128xf32, #tpu.memory_space<vmem>> -> memref<1x4x8x128xf32, #tpu.memory_space<vmem>>
        %dma_wait3A_188 = tpu.memref_squeeze %dma_wait3A_187 : memref<1x4x8x128xf32, #tpu.memory_space<vmem>> -> memref<4x8x128xf32, #tpu.memory_space<vmem>>
        %dma_wait3A_189 = arith.constant 0 : i32
        %dma_wait3A_190 = arith.constant 0 : i32
        %dma_wait3A_191 = arith.constant 0 : i32
        %dma_wait3A_192 = tpu.memref_slice %arg4[%dma_wait3A_182, %dma_wait3A_189, %dma_wait3A_183, %dma_wait3A_190, %dma_wait3A_191] : memref<26x4x32x8x128xf32, #tpu.memory_space<hbm>> -> memref<1x4x1x8x128xf32, #tpu.memory_space<hbm>>
        %dma_wait3A_193 = tpu.memref_squeeze %dma_wait3A_192 : memref<1x4x1x8x128xf32, #tpu.memory_space<hbm>> -> memref<4x8x128xf32, #tpu.memory_space<hbm>>
        %dma_wait3A_194 = arith.constant 0 : i32
        %dma_wait3A_195 = arith.constant 0 : i32
        %dma_wait3A_196 = arith.constant 0 : i32
        %dma_wait3A_197 = tpu.memref_slice %arg4[%dma_wait3A_182, %dma_wait3A_194, %dma_wait3A_183, %dma_wait3A_195, %dma_wait3A_196] : memref<26x4x32x8x128xf32, #tpu.memory_space<hbm>> -> memref<1x4x1x8x128xf32, #tpu.memory_space<hbm>>
        %dma_wait3A_198 = tpu.memref_squeeze %dma_wait3A_197 : memref<1x4x1x8x128xf32, #tpu.memory_space<hbm>> -> memref<4x8x128xf32, #tpu.memory_space<hbm>>
        %dma_wait3A_199 = arith.constant 0 : i32
        %dma_wait3A_200 = arith.constant 0 : i32
        %dma_wait3A_201 = arith.constant 0 : i32
        %dma_wait3A_202 = tpu.memref_slice %arg7[%dma_wait3A_181, %dma_wait3A_199, %dma_wait3A_200, %dma_wait3A_201] : memref<2x4x8x128xf32, #tpu.memory_space<vmem>> -> memref<1x4x8x128xf32, #tpu.memory_space<vmem>>
        %dma_wait3A_203 = tpu.memref_squeeze %dma_wait3A_202 : memref<1x4x8x128xf32, #tpu.memory_space<vmem>> -> memref<4x8x128xf32, #tpu.memory_space<vmem>>
        tpu.wait_dma2 semaphore(%arg11 : memref<!tpu.dma_semaphore, #tpu.memory_space<semaphore_mem>>) src(%dma_wait3A_203 : memref<4x8x128xf32, #tpu.memory_space<vmem>>) dst(%dma_wait3A_198 : memref<4x8x128xf32, #tpu.memory_space<hbm>>)
      } else {
      }
      %parallel_loop3A = arith.constant 0 : i32
      %parallel_loop3A_102 = arith.constant 32 : i32
      %parallel_loop3A_103 = arith.constant 1 : i32
      scf.for %parallel_loop3A_181 = %parallel_loop3A to %parallel_loop3A_102 step %parallel_loop3A_103  : i32 {
        %parallel_loop3A_182 = vector.broadcast %parallel_loop3A_181 : i32 to vector<16xi32>
        %parallel_loop3A_183 = arith.constant 3 : i32
        %parallel_loop3A_184 = arith.shrui %parallel_loop3A_181, %parallel_loop3A_183 : i32
        %parallel_loop3A_185 = arith.constant 7 : i32
        %parallel_loop3A_186 = arith.andi %parallel_loop3A_181, %parallel_loop3A_185 : i32
        %parallel_loop3A_187 = arith.constant 0 : i32
        %parallel_loop3A_188 = vector.broadcast %parallel_loop3A_187 : i32 to vector<16xi32>
        %parallel_loop3A_189 = arith.addi %parallel_loop3A_188, %iota3A : vector<16xi32>
        %parallel_loop3A_190 = arith.constant 0 : i32
        %parallel_loop3A_191 = arith.constant 0 : i32
        %parallel_loop3A_192 = arith.constant 0 : i32
        %parallel_loop3A_193 = tpu.memref_slice %arg6[%parallel_loop3A_190, %parallel_loop3A_191, %parallel_loop3A_192] : memref<2x128x32xf32, #tpu.memory_space<vmem>> -> memref<1x128x32xf32, #tpu.memory_space<vmem>>
        %parallel_loop3A_194 = tpu.memref_squeeze %parallel_loop3A_193 : memref<1x128x32xf32, #tpu.memory_space<vmem>> -> memref<128x32xf32, #tpu.memory_space<vmem>>
        %parallel_loop3A_195 = tpu.vector_load_idx %parallel_loop3A_194[%parallel_loop3A_189, %parallel_loop3A_182] : memref<128x32xf32, #tpu.memory_space<vmem>>[vector<16xi32>, vector<16xi32>], vector<16xf32>,
        %parallel_loop3A_196 = arith.constant 0 : i32
        %parallel_loop3A_197 = arith.index_cast %parallel_loop3A_196 : i32 to index
        %parallel_loop3A_198 = arith.index_cast %parallel_loop3A_184 : i32 to index
        %parallel_loop3A_199 = arith.index_cast %parallel_loop3A_186 : i32 to index
        %parallel_loop3A_200 = arith.constant 0 : index
        %parallel_loop3A_201 = tpu.vector_load %arg7[%parallel_loop3A_197, %parallel_loop3A_198, %parallel_loop3A_199, %parallel_loop3A_200] {strides = array<i32>} : memref<2x4x8x128xf32, #tpu.memory_space<vmem>>, vector<16xf32>,
        tpu.vector_store %arg7[%parallel_loop3A_197, %parallel_loop3A_198, %parallel_loop3A_199, %parallel_loop3A_200], %parallel_loop3A_195 {strides = array<i32>} : memref<2x4x8x128xf32, #tpu.memory_space<vmem>>, vector<16xf32>,
        %parallel_loop3A_202 = arith.constant 16 : i32
        %parallel_loop3A_203 = vector.broadcast %parallel_loop3A_202 : i32 to vector<16xi32>
        %parallel_loop3A_204 = arith.addi %parallel_loop3A_203, %iota3A : vector<16xi32>
        %parallel_loop3A_205 = arith.constant 0 : i32
        %parallel_loop3A_206 = arith.constant 0 : i32
        %parallel_loop3A_207 = arith.constant 0 : i32
        %parallel_loop3A_208 = tpu.memref_slice %arg6[%parallel_loop3A_205, %parallel_loop3A_206, %parallel_loop3A_207] : memref<2x128x32xf32, #tpu.memory_space<vmem>> -> memref<1x128x32xf32, #tpu.memory_space<vmem>>
        %parallel_loop3A_209 = tpu.memref_squeeze %parallel_loop3A_208 : memref<1x128x32xf32, #tpu.memory_space<vmem>> -> memref<128x32xf32, #tpu.memory_space<vmem>>
        %parallel_loop3A_210 = tpu.vector_load_idx %parallel_loop3A_209[%parallel_loop3A_204, %parallel_loop3A_182] : memref<128x32xf32, #tpu.memory_space<vmem>>[vector<16xi32>, vector<16xi32>], vector<16xf32>,
        %parallel_loop3A_211 = arith.constant 0 : i32
        %parallel_loop3A_212 = arith.index_cast %parallel_loop3A_211 : i32 to index
        %parallel_loop3A_213 = arith.index_cast %parallel_loop3A_184 : i32 to index
        %parallel_loop3A_214 = arith.index_cast %parallel_loop3A_186 : i32 to index
        %parallel_loop3A_215 = arith.constant 16 : index
        %parallel_loop3A_216 = tpu.vector_load %arg7[%parallel_loop3A_212, %parallel_loop3A_213, %parallel_loop3A_214, %parallel_loop3A_215] {strides = array<i32>} : memref<2x4x8x128xf32, #tpu.memory_space<vmem>>, vector<16xf32>,
        tpu.vector_store %arg7[%parallel_loop3A_212, %parallel_loop3A_213, %parallel_loop3A_214, %parallel_loop3A_215], %parallel_loop3A_210 {strides = array<i32>} : memref<2x4x8x128xf32, #tpu.memory_space<vmem>>, vector<16xf32>,
        %parallel_loop3A_217 = arith.constant 32 : i32
        %parallel_loop3A_218 = vector.broadcast %parallel_loop3A_217 : i32 to vector<16xi32>
        %parallel_loop3A_219 = arith.addi %parallel_loop3A_218, %iota3A : vector<16xi32>
        %parallel_loop3A_220 = arith.constant 0 : i32
        %parallel_loop3A_221 = arith.constant 0 : i32
        %parallel_loop3A_222 = arith.constant 0 : i32
        %parallel_loop3A_223 = tpu.memref_slice %arg6[%parallel_loop3A_220, %parallel_loop3A_221, %parallel_loop3A_222] : memref<2x128x32xf32, #tpu.memory_space<vmem>> -> memref<1x128x32xf32, #tpu.memory_space<vmem>>
        %parallel_loop3A_224 = tpu.memref_squeeze %parallel_loop3A_223 : memref<1x128x32xf32, #tpu.memory_space<vmem>> -> memref<128x32xf32, #tpu.memory_space<vmem>>
        %parallel_loop3A_225 = tpu.vector_load_idx %parallel_loop3A_224[%parallel_loop3A_219, %parallel_loop3A_182] : memref<128x32xf32, #tpu.memory_space<vmem>>[vector<16xi32>, vector<16xi32>], vector<16xf32>,
        %parallel_loop3A_226 = arith.constant 0 : i32
        %parallel_loop3A_227 = arith.index_cast %parallel_loop3A_226 : i32 to index
        %parallel_loop3A_228 = arith.index_cast %parallel_loop3A_184 : i32 to index
        %parallel_loop3A_229 = arith.index_cast %parallel_loop3A_186 : i32 to index
        %parallel_loop3A_230 = arith.constant 32 : index
        %parallel_loop3A_231 = tpu.vector_load %arg7[%parallel_loop3A_227, %parallel_loop3A_228, %parallel_loop3A_229, %parallel_loop3A_230] {strides = array<i32>} : memref<2x4x8x128xf32, #tpu.memory_space<vmem>>, vector<16xf32>,
        tpu.vector_store %arg7[%parallel_loop3A_227, %parallel_loop3A_228, %parallel_loop3A_229, %parallel_loop3A_230], %parallel_loop3A_225 {strides = array<i32>} : memref<2x4x8x128xf32, #tpu.memory_space<vmem>>, vector<16xf32>,
        %parallel_loop3A_232 = arith.constant 48 : i32
        %parallel_loop3A_233 = vector.broadcast %parallel_loop3A_232 : i32 to vector<16xi32>
        %parallel_loop3A_234 = arith.addi %parallel_loop3A_233, %iota3A : vector<16xi32>
        %parallel_loop3A_235 = arith.constant 0 : i32
        %parallel_loop3A_236 = arith.constant 0 : i32
        %parallel_loop3A_237 = arith.constant 0 : i32
        %parallel_loop3A_238 = tpu.memref_slice %arg6[%parallel_loop3A_235, %parallel_loop3A_236, %parallel_loop3A_237] : memref<2x128x32xf32, #tpu.memory_space<vmem>> -> memref<1x128x32xf32, #tpu.memory_space<vmem>>
        %parallel_loop3A_239 = tpu.memref_squeeze %parallel_loop3A_238 : memref<1x128x32xf32, #tpu.memory_space<vmem>> -> memref<128x32xf32, #tpu.memory_space<vmem>>
        %parallel_loop3A_240 = tpu.vector_load_idx %parallel_loop3A_239[%parallel_loop3A_234, %parallel_loop3A_182] : memref<128x32xf32, #tpu.memory_space<vmem>>[vector<16xi32>, vector<16xi32>], vector<16xf32>,
        %parallel_loop3A_241 = arith.constant 0 : i32
        %parallel_loop3A_242 = arith.index_cast %parallel_loop3A_241 : i32 to index
        %parallel_loop3A_243 = arith.index_cast %parallel_loop3A_184 : i32 to index
        %parallel_loop3A_244 = arith.index_cast %parallel_loop3A_186 : i32 to index
        %parallel_loop3A_245 = arith.constant 48 : index
        %parallel_loop3A_246 = tpu.vector_load %arg7[%parallel_loop3A_242, %parallel_loop3A_243, %parallel_loop3A_244, %parallel_loop3A_245] {strides = array<i32>} : memref<2x4x8x128xf32, #tpu.memory_space<vmem>>, vector<16xf32>,
        tpu.vector_store %arg7[%parallel_loop3A_242, %parallel_loop3A_243, %parallel_loop3A_244, %parallel_loop3A_245], %parallel_loop3A_240 {strides = array<i32>} : memref<2x4x8x128xf32, #tpu.memory_space<vmem>>, vector<16xf32>,
        %parallel_loop3A_247 = arith.constant 64 : i32
        %parallel_loop3A_248 = vector.broadcast %parallel_loop3A_247 : i32 to vector<16xi32>
        %parallel_loop3A_249 = arith.addi %parallel_loop3A_248, %iota3A : vector<16xi32>
        %parallel_loop3A_250 = arith.constant 0 : i32
        %parallel_loop3A_251 = arith.constant 0 : i32
        %parallel_loop3A_252 = arith.constant 0 : i32
        %parallel_loop3A_253 = tpu.memref_slice %arg6[%parallel_loop3A_250, %parallel_loop3A_251, %parallel_loop3A_252] : memref<2x128x32xf32, #tpu.memory_space<vmem>> -> memref<1x128x32xf32, #tpu.memory_space<vmem>>
        %parallel_loop3A_254 = tpu.memref_squeeze %parallel_loop3A_253 : memref<1x128x32xf32, #tpu.memory_space<vmem>> -> memref<128x32xf32, #tpu.memory_space<vmem>>
        %parallel_loop3A_255 = tpu.vector_load_idx %parallel_loop3A_254[%parallel_loop3A_249, %parallel_loop3A_182] : memref<128x32xf32, #tpu.memory_space<vmem>>[vector<16xi32>, vector<16xi32>], vector<16xf32>,
        %parallel_loop3A_256 = arith.constant 0 : i32
        %parallel_loop3A_257 = arith.index_cast %parallel_loop3A_256 : i32 to index
        %parallel_loop3A_258 = arith.index_cast %parallel_loop3A_184 : i32 to index
        %parallel_loop3A_259 = arith.index_cast %parallel_loop3A_186 : i32 to index
        %parallel_loop3A_260 = arith.constant 64 : index
        %parallel_loop3A_261 = tpu.vector_load %arg7[%parallel_loop3A_257, %parallel_loop3A_258, %parallel_loop3A_259, %parallel_loop3A_260] {strides = array<i32>} : memref<2x4x8x128xf32, #tpu.memory_space<vmem>>, vector<16xf32>,
        tpu.vector_store %arg7[%parallel_loop3A_257, %parallel_loop3A_258, %parallel_loop3A_259, %parallel_loop3A_260], %parallel_loop3A_255 {strides = array<i32>} : memref<2x4x8x128xf32, #tpu.memory_space<vmem>>, vector<16xf32>,
        %parallel_loop3A_262 = arith.constant 80 : i32
        %parallel_loop3A_263 = vector.broadcast %parallel_loop3A_262 : i32 to vector<16xi32>
        %parallel_loop3A_264 = arith.addi %parallel_loop3A_263, %iota3A : vector<16xi32>
        %parallel_loop3A_265 = arith.constant 0 : i32
        %parallel_loop3A_266 = arith.constant 0 : i32
        %parallel_loop3A_267 = arith.constant 0 : i32
        %parallel_loop3A_268 = tpu.memref_slice %arg6[%parallel_loop3A_265, %parallel_loop3A_266, %parallel_loop3A_267] : memref<2x128x32xf32, #tpu.memory_space<vmem>> -> memref<1x128x32xf32, #tpu.memory_space<vmem>>
        %parallel_loop3A_269 = tpu.memref_squeeze %parallel_loop3A_268 : memref<1x128x32xf32, #tpu.memory_space<vmem>> -> memref<128x32xf32, #tpu.memory_space<vmem>>
        %parallel_loop3A_270 = tpu.vector_load_idx %parallel_loop3A_269[%parallel_loop3A_264, %parallel_loop3A_182] : memref<128x32xf32, #tpu.memory_space<vmem>>[vector<16xi32>, vector<16xi32>], vector<16xf32>,
        %parallel_loop3A_271 = arith.constant 0 : i32
        %parallel_loop3A_272 = arith.index_cast %parallel_loop3A_271 : i32 to index
        %parallel_loop3A_273 = arith.index_cast %parallel_loop3A_184 : i32 to index
        %parallel_loop3A_274 = arith.index_cast %parallel_loop3A_186 : i32 to index
        %parallel_loop3A_275 = arith.constant 80 : index
        %parallel_loop3A_276 = tpu.vector_load %arg7[%parallel_loop3A_272, %parallel_loop3A_273, %parallel_loop3A_274, %parallel_loop3A_275] {strides = array<i32>} : memref<2x4x8x128xf32, #tpu.memory_space<vmem>>, vector<16xf32>,
        tpu.vector_store %arg7[%parallel_loop3A_272, %parallel_loop3A_273, %parallel_loop3A_274, %parallel_loop3A_275], %parallel_loop3A_270 {strides = array<i32>} : memref<2x4x8x128xf32, #tpu.memory_space<vmem>>, vector<16xf32>,
        %parallel_loop3A_277 = arith.constant 96 : i32
        %parallel_loop3A_278 = vector.broadcast %parallel_loop3A_277 : i32 to vector<16xi32>
        %parallel_loop3A_279 = arith.addi %parallel_loop3A_278, %iota3A : vector<16xi32>
        %parallel_loop3A_280 = arith.constant 0 : i32
        %parallel_loop3A_281 = arith.constant 0 : i32
        %parallel_loop3A_282 = arith.constant 0 : i32
        %parallel_loop3A_283 = tpu.memref_slice %arg6[%parallel_loop3A_280, %parallel_loop3A_281, %parallel_loop3A_282] : memref<2x128x32xf32, #tpu.memory_space<vmem>> -> memref<1x128x32xf32, #tpu.memory_space<vmem>>
        %parallel_loop3A_284 = tpu.memref_squeeze %parallel_loop3A_283 : memref<1x128x32xf32, #tpu.memory_space<vmem>> -> memref<128x32xf32, #tpu.memory_space<vmem>>
        %parallel_loop3A_285 = tpu.vector_load_idx %parallel_loop3A_284[%parallel_loop3A_279, %parallel_loop3A_182] : memref<128x32xf32, #tpu.memory_space<vmem>>[vector<16xi32>, vector<16xi32>], vector<16xf32>,
        %parallel_loop3A_286 = arith.constant 0 : i32
        %parallel_loop3A_287 = arith.index_cast %parallel_loop3A_286 : i32 to index
        %parallel_loop3A_288 = arith.index_cast %parallel_loop3A_184 : i32 to index
        %parallel_loop3A_289 = arith.index_cast %parallel_loop3A_186 : i32 to index
        %parallel_loop3A_290 = arith.constant 96 : index
        %parallel_loop3A_291 = tpu.vector_load %arg7[%parallel_loop3A_287, %parallel_loop3A_288, %parallel_loop3A_289, %parallel_loop3A_290] {strides = array<i32>} : memref<2x4x8x128xf32, #tpu.memory_space<vmem>>, vector<16xf32>,
        tpu.vector_store %arg7[%parallel_loop3A_287, %parallel_loop3A_288, %parallel_loop3A_289, %parallel_loop3A_290], %parallel_loop3A_285 {strides = array<i32>} : memref<2x4x8x128xf32, #tpu.memory_space<vmem>>, vector<16xf32>,
        %parallel_loop3A_292 = arith.constant 112 : i32
        %parallel_loop3A_293 = vector.broadcast %parallel_loop3A_292 : i32 to vector<16xi32>
        %parallel_loop3A_294 = arith.addi %parallel_loop3A_293, %iota3A : vector<16xi32>
        %parallel_loop3A_295 = arith.constant 0 : i32
        %parallel_loop3A_296 = arith.constant 0 : i32
        %parallel_loop3A_297 = arith.constant 0 : i32
        %parallel_loop3A_298 = tpu.memref_slice %arg6[%parallel_loop3A_295, %parallel_loop3A_296, %parallel_loop3A_297] : memref<2x128x32xf32, #tpu.memory_space<vmem>> -> memref<1x128x32xf32, #tpu.memory_space<vmem>>
        %parallel_loop3A_299 = tpu.memref_squeeze %parallel_loop3A_298 : memref<1x128x32xf32, #tpu.memory_space<vmem>> -> memref<128x32xf32, #tpu.memory_space<vmem>>
        %parallel_loop3A_300 = tpu.vector_load_idx %parallel_loop3A_299[%parallel_loop3A_294, %parallel_loop3A_182] : memref<128x32xf32, #tpu.memory_space<vmem>>[vector<16xi32>, vector<16xi32>], vector<16xf32>,
        %parallel_loop3A_301 = arith.constant 0 : i32
        %parallel_loop3A_302 = arith.index_cast %parallel_loop3A_301 : i32 to index
        %parallel_loop3A_303 = arith.index_cast %parallel_loop3A_184 : i32 to index
        %parallel_loop3A_304 = arith.index_cast %parallel_loop3A_186 : i32 to index
        %parallel_loop3A_305 = arith.constant 112 : index
        %parallel_loop3A_306 = tpu.vector_load %arg7[%parallel_loop3A_302, %parallel_loop3A_303, %parallel_loop3A_304, %parallel_loop3A_305] {strides = array<i32>} : memref<2x4x8x128xf32, #tpu.memory_space<vmem>>, vector<16xf32>,
        tpu.vector_store %arg7[%parallel_loop3A_302, %parallel_loop3A_303, %parallel_loop3A_304, %parallel_loop3A_305], %parallel_loop3A_300 {strides = array<i32>} : memref<2x4x8x128xf32, #tpu.memory_space<vmem>>, vector<16xf32>,
      } {sc.loop_unroll_factor = 4 : i64, sc.parallel_access}
      %dma_start3A_104 = arith.constant 0 : i32
      %dma_start3A_105 = arith.constant 0 : i32
      %dma_start3A_106 = arith.constant 0 : i32
      %dma_start3A_107 = arith.constant 0 : i32
      %dma_start3A_108 = tpu.memref_slice %arg7[%dma_start3A_104, %dma_start3A_105, %dma_start3A_106, %dma_start3A_107] : memref<2x4x8x128xf32, #tpu.memory_space<vmem>> -> memref<1x4x8x128xf32, #tpu.memory_space<vmem>>
      %dma_start3A_109 = tpu.memref_squeeze %dma_start3A_108 : memref<1x4x8x128xf32, #tpu.memory_space<vmem>> -> memref<4x8x128xf32, #tpu.memory_space<vmem>>
      %dma_start3A_110 = arith.constant 0 : i32
      %dma_start3A_111 = arith.constant 0 : i32
      %dma_start3A_112 = arith.constant 0 : i32
      %dma_start3A_113 = tpu.memref_slice %arg4[%add3A_78, %dma_start3A_110, %add3A, %dma_start3A_111, %dma_start3A_112] : memref<26x4x32x8x128xf32, #tpu.memory_space<hbm>> -> memref<1x4x1x8x128xf32, #tpu.memory_space<hbm>>
      %dma_start3A_114 = tpu.memref_squeeze %dma_start3A_113 : memref<1x4x1x8x128xf32, #tpu.memory_space<hbm>> -> memref<4x8x128xf32, #tpu.memory_space<hbm>>
      %dma_start3A_115 = arith.constant 0 : i32
      %dma_start3A_116 = arith.constant 0 : i32
      %dma_start3A_117 = arith.constant 0 : i32
      %dma_start3A_118 = tpu.memref_slice %arg4[%add3A_78, %dma_start3A_115, %add3A, %dma_start3A_116, %dma_start3A_117] : memref<26x4x32x8x128xf32, #tpu.memory_space<hbm>> -> memref<1x4x1x8x128xf32, #tpu.memory_space<hbm>>
      %dma_start3A_119 = tpu.memref_squeeze %dma_start3A_118 : memref<1x4x1x8x128xf32, #tpu.memory_space<hbm>> -> memref<4x8x128xf32, #tpu.memory_space<hbm>>
      %dma_start3A_120 = arith.constant 0 : i32
      %dma_start3A_121 = arith.constant 0 : i32
      %dma_start3A_122 = arith.constant 0 : i32
      %dma_start3A_123 = tpu.memref_slice %arg7[%dma_start3A_104, %dma_start3A_120, %dma_start3A_121, %dma_start3A_122] : memref<2x4x8x128xf32, #tpu.memory_space<vmem>> -> memref<1x4x8x128xf32, #tpu.memory_space<vmem>>
      %dma_start3A_124 = tpu.memref_squeeze %dma_start3A_123 : memref<1x4x8x128xf32, #tpu.memory_space<vmem>> -> memref<4x8x128xf32, #tpu.memory_space<vmem>>
      tpu.enqueue_dma source(%dma_start3A_124 : memref<4x8x128xf32, #tpu.memory_space<vmem>>) target(%dma_start3A_119 : memref<4x8x128xf32, #tpu.memory_space<hbm>>) target_semaphore(%arg11 : memref<!tpu.dma_semaphore, #tpu.memory_space<semaphore_mem>>)
      %mul3A_125 = arith.constant 2 : i32
      %mul3A_126 = arith.muli %mul3A_125, %scan3A_73 : i32
      %add3A_127 = arith.constant 1 : i32
      %add3A_128 = arith.addi %mul3A_126, %add3A_127 : i32
      %add3A_129 = arith.constant 1 : i32
      %add3A_130 = arith.addi %add3A_128, %add3A_129 : i32
      %lt3A_131 = arith.constant 26 : i32
      %lt3A_132 = arith.cmpi slt, %add3A_130, %lt3A_131 : i32
      %convert_element_type3A_133 = arith.extui %lt3A_132 : i1 to i32
      %cond3A_134 = arith.constant 0 : i32
      %cond3A_135 = arith.cmpi ne, %convert_element_type3A_133, %cond3A_134 : i32
      scf.if %cond3A_135 {
        %dma_start3A_181 = arith.constant 0 : i32
        %dma_start3A_182 = arith.constant 0 : i32
        %dma_start3A_183 = arith.constant 0 : i32
        %dma_start3A_184 = tpu.memref_slice %arg6[%dma_start3A_181, %dma_start3A_182, %dma_start3A_183] : memref<2x128x32xf32, #tpu.memory_space<vmem>> -> memref<1x128x32xf32, #tpu.memory_space<vmem>>
        %dma_start3A_185 = tpu.memref_squeeze %dma_start3A_184 : memref<1x128x32xf32, #tpu.memory_space<vmem>> -> memref<128x32xf32, #tpu.memory_space<vmem>>
        %dma_start3A_186 = arith.constant 0 : i32
        %dma_start3A_187 = tpu.memref_slice %arg5[%add3A_130, %dma_start3A_186] : memref<26x128xi32, #tpu.memory_space<vmem>> -> memref<1x128xi32, #tpu.memory_space<vmem>>
        %dma_start3A_188 = tpu.memref_squeeze %dma_start3A_187 : memref<1x128xi32, #tpu.memory_space<vmem>> -> memref<128xi32, #tpu.memory_space<vmem>>
        %dma_start3A_189 = arith.constant 0 : i32
        %dma_start3A_190 = arith.constant 0 : i32
        %dma_start3A_191 = tpu.memref_slice %arg2[%dma_start3A_189, %dma_start3A_190] : memref<1000064x32xf32, #tpu.memory_space<hbm>> -> memref<1000064x32xf32, #tpu.memory_space<hbm>>
        tpu.enqueue_indirect_dma source(%dma_start3A_191 : memref<1000064x32xf32, #tpu.memory_space<hbm>>) target(%dma_start3A_185 : memref<128x32xf32, #tpu.memory_space<vmem>>) offsets(%dma_start3A_188 : memref<128xi32, #tpu.memory_space<vmem>>) semaphore(%arg9 : memref<!tpu.dma_semaphore, #tpu.memory_space<semaphore_mem>>)
      } else {
      }
      %dma_wait3A_136 = arith.constant 1 : i32
      %dma_wait3A_137 = arith.constant 0 : i32
      %dma_wait3A_138 = arith.constant 0 : i32
      %dma_wait3A_139 = tpu.memref_slice %arg6[%dma_wait3A_136, %dma_wait3A_137, %dma_wait3A_138] : memref<2x128x32xf32, #tpu.memory_space<vmem>> -> memref<1x128x32xf32, #tpu.memory_space<vmem>>
      %dma_wait3A_140 = tpu.memref_squeeze %dma_wait3A_139 : memref<1x128x32xf32, #tpu.memory_space<vmem>> -> memref<128x32xf32, #tpu.memory_space<vmem>>
      %dma_wait3A_141 = arith.constant 0 : i32
      %dma_wait3A_142 = arith.constant 0 : i32
      %dma_wait3A_143 = tpu.memref_slice %arg2[%dma_wait3A_141, %dma_wait3A_142] : memref<1000064x32xf32, #tpu.memory_space<hbm>> -> memref<128x32xf32, #tpu.memory_space<hbm>>
      %dma_wait3A_144 = arith.constant 0 : i32
      %dma_wait3A_145 = arith.constant 0 : i32
      %dma_wait3A_146 = tpu.memref_slice %arg6[%dma_wait3A_136, %dma_wait3A_144, %dma_wait3A_145] : memref<2x128x32xf32, #tpu.memory_space<vmem>> -> memref<1x128x32xf32, #tpu.memory_space<vmem>>
      %dma_wait3A_147 = tpu.memref_squeeze %dma_wait3A_146 : memref<1x128x32xf32, #tpu.memory_space<vmem>> -> memref<128x32xf32, #tpu.memory_space<vmem>>
      %dma_wait3A_148 = arith.constant 0 : i32
      %dma_wait3A_149 = arith.constant 0 : i32
      %dma_wait3A_150 = tpu.memref_slice %arg2[%dma_wait3A_148, %dma_wait3A_149] : memref<1000064x32xf32, #tpu.memory_space<hbm>> -> memref<128x32xf32, #tpu.memory_space<hbm>>
      tpu.wait_dma2 semaphore(%arg10 : memref<!tpu.dma_semaphore, #tpu.memory_space<semaphore_mem>>) src(%dma_wait3A_150 : memref<128x32xf32, #tpu.memory_space<hbm>>) dst(%dma_wait3A_147 : memref<128x32xf32, #tpu.memory_space<vmem>>)
      %ge3A_151 = arith.constant 2 : i32
      %ge3A_152 = arith.cmpi sge, %add3A_128, %ge3A_151 : i32
      %convert_element_type3A_153 = arith.extui %ge3A_152 : i1 to i32
      %cond3A_154 = arith.constant 0 : i32
      %cond3A_155 = arith.cmpi ne, %convert_element_type3A_153, %cond3A_154 : i32
      scf.if %cond3A_155 {
        %dma_wait3A_181 = arith.constant 1 : i32
        %dma_wait3A_182 = arith.constant 0 : i32
        %dma_wait3A_183 = arith.constant 0 : i32
        %dma_wait3A_184 = arith.constant 0 : i32
        %dma_wait3A_185 = arith.constant 0 : i32
        %dma_wait3A_186 = arith.constant 0 : i32
        %dma_wait3A_187 = tpu.memref_slice %arg7[%dma_wait3A_181, %dma_wait3A_184, %dma_wait3A_185, %dma_wait3A_186] : memref<2x4x8x128xf32, #tpu.memory_space<vmem>> -> memref<1x4x8x128xf32, #tpu.memory_space<vmem>>
        %dma_wait3A_188 = tpu.memref_squeeze %dma_wait3A_187 : memref<1x4x8x128xf32, #tpu.memory_space<vmem>> -> memref<4x8x128xf32, #tpu.memory_space<vmem>>
        %dma_wait3A_189 = arith.constant 0 : i32
        %dma_wait3A_190 = arith.constant 0 : i32
        %dma_wait3A_191 = arith.constant 0 : i32
        %dma_wait3A_192 = tpu.memref_slice %arg4[%dma_wait3A_182, %dma_wait3A_189, %dma_wait3A_183, %dma_wait3A_190, %dma_wait3A_191] : memref<26x4x32x8x128xf32, #tpu.memory_space<hbm>> -> memref<1x4x1x8x128xf32, #tpu.memory_space<hbm>>
        %dma_wait3A_193 = tpu.memref_squeeze %dma_wait3A_192 : memref<1x4x1x8x128xf32, #tpu.memory_space<hbm>> -> memref<4x8x128xf32, #tpu.memory_space<hbm>>
        %dma_wait3A_194 = arith.constant 0 : i32
        %dma_wait3A_195 = arith.constant 0 : i32
        %dma_wait3A_196 = arith.constant 0 : i32
        %dma_wait3A_197 = tpu.memref_slice %arg4[%dma_wait3A_182, %dma_wait3A_194, %dma_wait3A_183, %dma_wait3A_195, %dma_wait3A_196] : memref<26x4x32x8x128xf32, #tpu.memory_space<hbm>> -> memref<1x4x1x8x128xf32, #tpu.memory_space<hbm>>
        %dma_wait3A_198 = tpu.memref_squeeze %dma_wait3A_197 : memref<1x4x1x8x128xf32, #tpu.memory_space<hbm>> -> memref<4x8x128xf32, #tpu.memory_space<hbm>>
        %dma_wait3A_199 = arith.constant 0 : i32
        %dma_wait3A_200 = arith.constant 0 : i32
        %dma_wait3A_201 = arith.constant 0 : i32
        %dma_wait3A_202 = tpu.memref_slice %arg7[%dma_wait3A_181, %dma_wait3A_199, %dma_wait3A_200, %dma_wait3A_201] : memref<2x4x8x128xf32, #tpu.memory_space<vmem>> -> memref<1x4x8x128xf32, #tpu.memory_space<vmem>>
        %dma_wait3A_203 = tpu.memref_squeeze %dma_wait3A_202 : memref<1x4x8x128xf32, #tpu.memory_space<vmem>> -> memref<4x8x128xf32, #tpu.memory_space<vmem>>
        tpu.wait_dma2 semaphore(%arg12 : memref<!tpu.dma_semaphore, #tpu.memory_space<semaphore_mem>>) src(%dma_wait3A_203 : memref<4x8x128xf32, #tpu.memory_space<vmem>>) dst(%dma_wait3A_198 : memref<4x8x128xf32, #tpu.memory_space<hbm>>)
      } else {
      }
      %parallel_loop3A_156 = arith.constant 0 : i32
      %parallel_loop3A_157 = arith.constant 32 : i32
      %parallel_loop3A_158 = arith.constant 1 : i32
      scf.for %parallel_loop3A_181 = %parallel_loop3A_156 to %parallel_loop3A_157 step %parallel_loop3A_158  : i32 {
        %parallel_loop3A_182 = vector.broadcast %parallel_loop3A_181 : i32 to vector<16xi32>
        %parallel_loop3A_183 = arith.constant 3 : i32
        %parallel_loop3A_184 = arith.shrui %parallel_loop3A_181, %parallel_loop3A_183 : i32
        %parallel_loop3A_185 = arith.constant 7 : i32
        %parallel_loop3A_186 = arith.andi %parallel_loop3A_181, %parallel_loop3A_185 : i32
        %parallel_loop3A_187 = arith.constant 0 : i32
        %parallel_loop3A_188 = vector.broadcast %parallel_loop3A_187 : i32 to vector<16xi32>
        %parallel_loop3A_189 = arith.addi %parallel_loop3A_188, %iota3A : vector<16xi32>
        %parallel_loop3A_190 = arith.constant 1 : i32
        %parallel_loop3A_191 = arith.constant 0 : i32
        %parallel_loop3A_192 = arith.constant 0 : i32
        %parallel_loop3A_193 = tpu.memref_slice %arg6[%parallel_loop3A_190, %parallel_loop3A_191, %parallel_loop3A_192] : memref<2x128x32xf32, #tpu.memory_space<vmem>> -> memref<1x128x32xf32, #tpu.memory_space<vmem>>
        %parallel_loop3A_194 = tpu.memref_squeeze %parallel_loop3A_193 : memref<1x128x32xf32, #tpu.memory_space<vmem>> -> memref<128x32xf32, #tpu.memory_space<vmem>>
        %parallel_loop3A_195 = tpu.vector_load_idx %parallel_loop3A_194[%parallel_loop3A_189, %parallel_loop3A_182] : memref<128x32xf32, #tpu.memory_space<vmem>>[vector<16xi32>, vector<16xi32>], vector<16xf32>,
        %parallel_loop3A_196 = arith.constant 1 : i32
        %parallel_loop3A_197 = arith.index_cast %parallel_loop3A_196 : i32 to index
        %parallel_loop3A_198 = arith.index_cast %parallel_loop3A_184 : i32 to index
        %parallel_loop3A_199 = arith.index_cast %parallel_loop3A_186 : i32 to index
        %parallel_loop3A_200 = arith.constant 0 : index
        %parallel_loop3A_201 = tpu.vector_load %arg7[%parallel_loop3A_197, %parallel_loop3A_198, %parallel_loop3A_199, %parallel_loop3A_200] {strides = array<i32>} : memref<2x4x8x128xf32, #tpu.memory_space<vmem>>, vector<16xf32>,
        tpu.vector_store %arg7[%parallel_loop3A_197, %parallel_loop3A_198, %parallel_loop3A_199, %parallel_loop3A_200], %parallel_loop3A_195 {strides = array<i32>} : memref<2x4x8x128xf32, #tpu.memory_space<vmem>>, vector<16xf32>,
        %parallel_loop3A_202 = arith.constant 16 : i32
        %parallel_loop3A_203 = vector.broadcast %parallel_loop3A_202 : i32 to vector<16xi32>
        %parallel_loop3A_204 = arith.addi %parallel_loop3A_203, %iota3A : vector<16xi32>
        %parallel_loop3A_205 = arith.constant 1 : i32
        %parallel_loop3A_206 = arith.constant 0 : i32
        %parallel_loop3A_207 = arith.constant 0 : i32
        %parallel_loop3A_208 = tpu.memref_slice %arg6[%parallel_loop3A_205, %parallel_loop3A_206, %parallel_loop3A_207] : memref<2x128x32xf32, #tpu.memory_space<vmem>> -> memref<1x128x32xf32, #tpu.memory_space<vmem>>
        %parallel_loop3A_209 = tpu.memref_squeeze %parallel_loop3A_208 : memref<1x128x32xf32, #tpu.memory_space<vmem>> -> memref<128x32xf32, #tpu.memory_space<vmem>>
        %parallel_loop3A_210 = tpu.vector_load_idx %parallel_loop3A_209[%parallel_loop3A_204, %parallel_loop3A_182] : memref<128x32xf32, #tpu.memory_space<vmem>>[vector<16xi32>, vector<16xi32>], vector<16xf32>,
        %parallel_loop3A_211 = arith.constant 1 : i32
        %parallel_loop3A_212 = arith.index_cast %parallel_loop3A_211 : i32 to index
        %parallel_loop3A_213 = arith.index_cast %parallel_loop3A_184 : i32 to index
        %parallel_loop3A_214 = arith.index_cast %parallel_loop3A_186 : i32 to index
        %parallel_loop3A_215 = arith.constant 16 : index
        %parallel_loop3A_216 = tpu.vector_load %arg7[%parallel_loop3A_212, %parallel_loop3A_213, %parallel_loop3A_214, %parallel_loop3A_215] {strides = array<i32>} : memref<2x4x8x128xf32, #tpu.memory_space<vmem>>, vector<16xf32>,
        tpu.vector_store %arg7[%parallel_loop3A_212, %parallel_loop3A_213, %parallel_loop3A_214, %parallel_loop3A_215], %parallel_loop3A_210 {strides = array<i32>} : memref<2x4x8x128xf32, #tpu.memory_space<vmem>>, vector<16xf32>,
        %parallel_loop3A_217 = arith.constant 32 : i32
        %parallel_loop3A_218 = vector.broadcast %parallel_loop3A_217 : i32 to vector<16xi32>
        %parallel_loop3A_219 = arith.addi %parallel_loop3A_218, %iota3A : vector<16xi32>
        %parallel_loop3A_220 = arith.constant 1 : i32
        %parallel_loop3A_221 = arith.constant 0 : i32
        %parallel_loop3A_222 = arith.constant 0 : i32
        %parallel_loop3A_223 = tpu.memref_slice %arg6[%parallel_loop3A_220, %parallel_loop3A_221, %parallel_loop3A_222] : memref<2x128x32xf32, #tpu.memory_space<vmem>> -> memref<1x128x32xf32, #tpu.memory_space<vmem>>
        %parallel_loop3A_224 = tpu.memref_squeeze %parallel_loop3A_223 : memref<1x128x32xf32, #tpu.memory_space<vmem>> -> memref<128x32xf32, #tpu.memory_space<vmem>>
        %parallel_loop3A_225 = tpu.vector_load_idx %parallel_loop3A_224[%parallel_loop3A_219, %parallel_loop3A_182] : memref<128x32xf32, #tpu.memory_space<vmem>>[vector<16xi32>, vector<16xi32>], vector<16xf32>,
        %parallel_loop3A_226 = arith.constant 1 : i32
        %parallel_loop3A_227 = arith.index_cast %parallel_loop3A_226 : i32 to index
        %parallel_loop3A_228 = arith.index_cast %parallel_loop3A_184 : i32 to index
        %parallel_loop3A_229 = arith.index_cast %parallel_loop3A_186 : i32 to index
        %parallel_loop3A_230 = arith.constant 32 : index
        %parallel_loop3A_231 = tpu.vector_load %arg7[%parallel_loop3A_227, %parallel_loop3A_228, %parallel_loop3A_229, %parallel_loop3A_230] {strides = array<i32>} : memref<2x4x8x128xf32, #tpu.memory_space<vmem>>, vector<16xf32>,
        tpu.vector_store %arg7[%parallel_loop3A_227, %parallel_loop3A_228, %parallel_loop3A_229, %parallel_loop3A_230], %parallel_loop3A_225 {strides = array<i32>} : memref<2x4x8x128xf32, #tpu.memory_space<vmem>>, vector<16xf32>,
        %parallel_loop3A_232 = arith.constant 48 : i32
        %parallel_loop3A_233 = vector.broadcast %parallel_loop3A_232 : i32 to vector<16xi32>
        %parallel_loop3A_234 = arith.addi %parallel_loop3A_233, %iota3A : vector<16xi32>
        %parallel_loop3A_235 = arith.constant 1 : i32
        %parallel_loop3A_236 = arith.constant 0 : i32
        %parallel_loop3A_237 = arith.constant 0 : i32
        %parallel_loop3A_238 = tpu.memref_slice %arg6[%parallel_loop3A_235, %parallel_loop3A_236, %parallel_loop3A_237] : memref<2x128x32xf32, #tpu.memory_space<vmem>> -> memref<1x128x32xf32, #tpu.memory_space<vmem>>
        %parallel_loop3A_239 = tpu.memref_squeeze %parallel_loop3A_238 : memref<1x128x32xf32, #tpu.memory_space<vmem>> -> memref<128x32xf32, #tpu.memory_space<vmem>>
        %parallel_loop3A_240 = tpu.vector_load_idx %parallel_loop3A_239[%parallel_loop3A_234, %parallel_loop3A_182] : memref<128x32xf32, #tpu.memory_space<vmem>>[vector<16xi32>, vector<16xi32>], vector<16xf32>,
        %parallel_loop3A_241 = arith.constant 1 : i32
        %parallel_loop3A_242 = arith.index_cast %parallel_loop3A_241 : i32 to index
        %parallel_loop3A_243 = arith.index_cast %parallel_loop3A_184 : i32 to index
        %parallel_loop3A_244 = arith.index_cast %parallel_loop3A_186 : i32 to index
        %parallel_loop3A_245 = arith.constant 48 : index
        %parallel_loop3A_246 = tpu.vector_load %arg7[%parallel_loop3A_242, %parallel_loop3A_243, %parallel_loop3A_244, %parallel_loop3A_245] {strides = array<i32>} : memref<2x4x8x128xf32, #tpu.memory_space<vmem>>, vector<16xf32>,
        tpu.vector_store %arg7[%parallel_loop3A_242, %parallel_loop3A_243, %parallel_loop3A_244, %parallel_loop3A_245], %parallel_loop3A_240 {strides = array<i32>} : memref<2x4x8x128xf32, #tpu.memory_space<vmem>>, vector<16xf32>,
        %parallel_loop3A_247 = arith.constant 64 : i32
        %parallel_loop3A_248 = vector.broadcast %parallel_loop3A_247 : i32 to vector<16xi32>
        %parallel_loop3A_249 = arith.addi %parallel_loop3A_248, %iota3A : vector<16xi32>
        %parallel_loop3A_250 = arith.constant 1 : i32
        %parallel_loop3A_251 = arith.constant 0 : i32
        %parallel_loop3A_252 = arith.constant 0 : i32
        %parallel_loop3A_253 = tpu.memref_slice %arg6[%parallel_loop3A_250, %parallel_loop3A_251, %parallel_loop3A_252] : memref<2x128x32xf32, #tpu.memory_space<vmem>> -> memref<1x128x32xf32, #tpu.memory_space<vmem>>
        %parallel_loop3A_254 = tpu.memref_squeeze %parallel_loop3A_253 : memref<1x128x32xf32, #tpu.memory_space<vmem>> -> memref<128x32xf32, #tpu.memory_space<vmem>>
        %parallel_loop3A_255 = tpu.vector_load_idx %parallel_loop3A_254[%parallel_loop3A_249, %parallel_loop3A_182] : memref<128x32xf32, #tpu.memory_space<vmem>>[vector<16xi32>, vector<16xi32>], vector<16xf32>,
        %parallel_loop3A_256 = arith.constant 1 : i32
        %parallel_loop3A_257 = arith.index_cast %parallel_loop3A_256 : i32 to index
        %parallel_loop3A_258 = arith.index_cast %parallel_loop3A_184 : i32 to index
        %parallel_loop3A_259 = arith.index_cast %parallel_loop3A_186 : i32 to index
        %parallel_loop3A_260 = arith.constant 64 : index
        %parallel_loop3A_261 = tpu.vector_load %arg7[%parallel_loop3A_257, %parallel_loop3A_258, %parallel_loop3A_259, %parallel_loop3A_260] {strides = array<i32>} : memref<2x4x8x128xf32, #tpu.memory_space<vmem>>, vector<16xf32>,
        tpu.vector_store %arg7[%parallel_loop3A_257, %parallel_loop3A_258, %parallel_loop3A_259, %parallel_loop3A_260], %parallel_loop3A_255 {strides = array<i32>} : memref<2x4x8x128xf32, #tpu.memory_space<vmem>>, vector<16xf32>,
        %parallel_loop3A_262 = arith.constant 80 : i32
        %parallel_loop3A_263 = vector.broadcast %parallel_loop3A_262 : i32 to vector<16xi32>
        %parallel_loop3A_264 = arith.addi %parallel_loop3A_263, %iota3A : vector<16xi32>
        %parallel_loop3A_265 = arith.constant 1 : i32
        %parallel_loop3A_266 = arith.constant 0 : i32
        %parallel_loop3A_267 = arith.constant 0 : i32
        %parallel_loop3A_268 = tpu.memref_slice %arg6[%parallel_loop3A_265, %parallel_loop3A_266, %parallel_loop3A_267] : memref<2x128x32xf32, #tpu.memory_space<vmem>> -> memref<1x128x32xf32, #tpu.memory_space<vmem>>
        %parallel_loop3A_269 = tpu.memref_squeeze %parallel_loop3A_268 : memref<1x128x32xf32, #tpu.memory_space<vmem>> -> memref<128x32xf32, #tpu.memory_space<vmem>>
        %parallel_loop3A_270 = tpu.vector_load_idx %parallel_loop3A_269[%parallel_loop3A_264, %parallel_loop3A_182] : memref<128x32xf32, #tpu.memory_space<vmem>>[vector<16xi32>, vector<16xi32>], vector<16xf32>,
        %parallel_loop3A_271 = arith.constant 1 : i32
        %parallel_loop3A_272 = arith.index_cast %parallel_loop3A_271 : i32 to index
        %parallel_loop3A_273 = arith.index_cast %parallel_loop3A_184 : i32 to index
        %parallel_loop3A_274 = arith.index_cast %parallel_loop3A_186 : i32 to index
        %parallel_loop3A_275 = arith.constant 80 : index
        %parallel_loop3A_276 = tpu.vector_load %arg7[%parallel_loop3A_272, %parallel_loop3A_273, %parallel_loop3A_274, %parallel_loop3A_275] {strides = array<i32>} : memref<2x4x8x128xf32, #tpu.memory_space<vmem>>, vector<16xf32>,
        tpu.vector_store %arg7[%parallel_loop3A_272, %parallel_loop3A_273, %parallel_loop3A_274, %parallel_loop3A_275], %parallel_loop3A_270 {strides = array<i32>} : memref<2x4x8x128xf32, #tpu.memory_space<vmem>>, vector<16xf32>,
        %parallel_loop3A_277 = arith.constant 96 : i32
        %parallel_loop3A_278 = vector.broadcast %parallel_loop3A_277 : i32 to vector<16xi32>
        %parallel_loop3A_279 = arith.addi %parallel_loop3A_278, %iota3A : vector<16xi32>
        %parallel_loop3A_280 = arith.constant 1 : i32
        %parallel_loop3A_281 = arith.constant 0 : i32
        %parallel_loop3A_282 = arith.constant 0 : i32
        %parallel_loop3A_283 = tpu.memref_slice %arg6[%parallel_loop3A_280, %parallel_loop3A_281, %parallel_loop3A_282] : memref<2x128x32xf32, #tpu.memory_space<vmem>> -> memref<1x128x32xf32, #tpu.memory_space<vmem>>
        %parallel_loop3A_284 = tpu.memref_squeeze %parallel_loop3A_283 : memref<1x128x32xf32, #tpu.memory_space<vmem>> -> memref<128x32xf32, #tpu.memory_space<vmem>>
        %parallel_loop3A_285 = tpu.vector_load_idx %parallel_loop3A_284[%parallel_loop3A_279, %parallel_loop3A_182] : memref<128x32xf32, #tpu.memory_space<vmem>>[vector<16xi32>, vector<16xi32>], vector<16xf32>,
        %parallel_loop3A_286 = arith.constant 1 : i32
        %parallel_loop3A_287 = arith.index_cast %parallel_loop3A_286 : i32 to index
        %parallel_loop3A_288 = arith.index_cast %parallel_loop3A_184 : i32 to index
        %parallel_loop3A_289 = arith.index_cast %parallel_loop3A_186 : i32 to index
        %parallel_loop3A_290 = arith.constant 96 : index
        %parallel_loop3A_291 = tpu.vector_load %arg7[%parallel_loop3A_287, %parallel_loop3A_288, %parallel_loop3A_289, %parallel_loop3A_290] {strides = array<i32>} : memref<2x4x8x128xf32, #tpu.memory_space<vmem>>, vector<16xf32>,
        tpu.vector_store %arg7[%parallel_loop3A_287, %parallel_loop3A_288, %parallel_loop3A_289, %parallel_loop3A_290], %parallel_loop3A_285 {strides = array<i32>} : memref<2x4x8x128xf32, #tpu.memory_space<vmem>>, vector<16xf32>,
        %parallel_loop3A_292 = arith.constant 112 : i32
        %parallel_loop3A_293 = vector.broadcast %parallel_loop3A_292 : i32 to vector<16xi32>
        %parallel_loop3A_294 = arith.addi %parallel_loop3A_293, %iota3A : vector<16xi32>
        %parallel_loop3A_295 = arith.constant 1 : i32
        %parallel_loop3A_296 = arith.constant 0 : i32
        %parallel_loop3A_297 = arith.constant 0 : i32
        %parallel_loop3A_298 = tpu.memref_slice %arg6[%parallel_loop3A_295, %parallel_loop3A_296, %parallel_loop3A_297] : memref<2x128x32xf32, #tpu.memory_space<vmem>> -> memref<1x128x32xf32, #tpu.memory_space<vmem>>
        %parallel_loop3A_299 = tpu.memref_squeeze %parallel_loop3A_298 : memref<1x128x32xf32, #tpu.memory_space<vmem>> -> memref<128x32xf32, #tpu.memory_space<vmem>>
        %parallel_loop3A_300 = tpu.vector_load_idx %parallel_loop3A_299[%parallel_loop3A_294, %parallel_loop3A_182] : memref<128x32xf32, #tpu.memory_space<vmem>>[vector<16xi32>, vector<16xi32>], vector<16xf32>,
        %parallel_loop3A_301 = arith.constant 1 : i32
        %parallel_loop3A_302 = arith.index_cast %parallel_loop3A_301 : i32 to index
        %parallel_loop3A_303 = arith.index_cast %parallel_loop3A_184 : i32 to index
        %parallel_loop3A_304 = arith.index_cast %parallel_loop3A_186 : i32 to index
        %parallel_loop3A_305 = arith.constant 112 : index
        %parallel_loop3A_306 = tpu.vector_load %arg7[%parallel_loop3A_302, %parallel_loop3A_303, %parallel_loop3A_304, %parallel_loop3A_305] {strides = array<i32>} : memref<2x4x8x128xf32, #tpu.memory_space<vmem>>, vector<16xf32>,
        tpu.vector_store %arg7[%parallel_loop3A_302, %parallel_loop3A_303, %parallel_loop3A_304, %parallel_loop3A_305], %parallel_loop3A_300 {strides = array<i32>} : memref<2x4x8x128xf32, #tpu.memory_space<vmem>>, vector<16xf32>,
      } {sc.loop_unroll_factor = 4 : i64, sc.parallel_access}
      %dma_start3A_159 = arith.constant 1 : i32
      %dma_start3A_160 = arith.constant 0 : i32
      %dma_start3A_161 = arith.constant 0 : i32
      %dma_start3A_162 = arith.constant 0 : i32
      %dma_start3A_163 = tpu.memref_slice %arg7[%dma_start3A_159, %dma_start3A_160, %dma_start3A_161, %dma_start3A_162] : memref<2x4x8x128xf32, #tpu.memory_space<vmem>> -> memref<1x4x8x128xf32, #tpu.memory_space<vmem>>
      %dma_start3A_164 = tpu.memref_squeeze %dma_start3A_163 : memref<1x4x8x128xf32, #tpu.memory_space<vmem>> -> memref<4x8x128xf32, #tpu.memory_space<vmem>>
      %dma_start3A_165 = arith.constant 0 : i32
      %dma_start3A_166 = arith.constant 0 : i32
      %dma_start3A_167 = arith.constant 0 : i32
      %dma_start3A_168 = tpu.memref_slice %arg4[%add3A_128, %dma_start3A_165, %add3A, %dma_start3A_166, %dma_start3A_167] : memref<26x4x32x8x128xf32, #tpu.memory_space<hbm>> -> memref<1x4x1x8x128xf32, #tpu.memory_space<hbm>>
      %dma_start3A_169 = tpu.memref_squeeze %dma_start3A_168 : memref<1x4x1x8x128xf32, #tpu.memory_space<hbm>> -> memref<4x8x128xf32, #tpu.memory_space<hbm>>
      %dma_start3A_170 = arith.constant 0 : i32
      %dma_start3A_171 = arith.constant 0 : i32
      %dma_start3A_172 = arith.constant 0 : i32
      %dma_start3A_173 = tpu.memref_slice %arg4[%add3A_128, %dma_start3A_170, %add3A, %dma_start3A_171, %dma_start3A_172] : memref<26x4x32x8x128xf32, #tpu.memory_space<hbm>> -> memref<1x4x1x8x128xf32, #tpu.memory_space<hbm>>
      %dma_start3A_174 = tpu.memref_squeeze %dma_start3A_173 : memref<1x4x1x8x128xf32, #tpu.memory_space<hbm>> -> memref<4x8x128xf32, #tpu.memory_space<hbm>>
      %dma_start3A_175 = arith.constant 0 : i32
      %dma_start3A_176 = arith.constant 0 : i32
      %dma_start3A_177 = arith.constant 0 : i32
      %dma_start3A_178 = tpu.memref_slice %arg7[%dma_start3A_159, %dma_start3A_175, %dma_start3A_176, %dma_start3A_177] : memref<2x4x8x128xf32, #tpu.memory_space<vmem>> -> memref<1x4x8x128xf32, #tpu.memory_space<vmem>>
      %dma_start3A_179 = tpu.memref_squeeze %dma_start3A_178 : memref<1x4x8x128xf32, #tpu.memory_space<vmem>> -> memref<4x8x128xf32, #tpu.memory_space<vmem>>
      tpu.enqueue_dma source(%dma_start3A_179 : memref<4x8x128xf32, #tpu.memory_space<vmem>>) target(%dma_start3A_174 : memref<4x8x128xf32, #tpu.memory_space<hbm>>) target_semaphore(%arg12 : memref<!tpu.dma_semaphore, #tpu.memory_space<semaphore_mem>>)
      %scan3A_180 = arith.constant 0 : i32
      scf.yield %scan3A_180 : i32
    }
    %scan3A_26 = arith.constant 13 : i32
    %dma_wait3A_27 = arith.constant 0 : i32
    %dma_wait3A_28 = arith.constant 0 : i32
    %dma_wait3A_29 = arith.constant 0 : i32
    %dma_wait3A_30 = arith.constant 0 : i32
    %dma_wait3A_31 = arith.constant 0 : i32
    %dma_wait3A_32 = arith.constant 0 : i32
    %dma_wait3A_33 = tpu.memref_slice %arg7[%dma_wait3A_27, %dma_wait3A_30, %dma_wait3A_31, %dma_wait3A_32] : memref<2x4x8x128xf32, #tpu.memory_space<vmem>> -> memref<1x4x8x128xf32, #tpu.memory_space<vmem>>
    %dma_wait3A_34 = tpu.memref_squeeze %dma_wait3A_33 : memref<1x4x8x128xf32, #tpu.memory_space<vmem>> -> memref<4x8x128xf32, #tpu.memory_space<vmem>>
    %dma_wait3A_35 = arith.constant 0 : i32
    %dma_wait3A_36 = arith.constant 0 : i32
    %dma_wait3A_37 = arith.constant 0 : i32
    %dma_wait3A_38 = tpu.memref_slice %arg4[%dma_wait3A_28, %dma_wait3A_35, %dma_wait3A_29, %dma_wait3A_36, %dma_wait3A_37] : memref<26x4x32x8x128xf32, #tpu.memory_space<hbm>> -> memref<1x4x1x8x128xf32, #tpu.memory_space<hbm>>
    %dma_wait3A_39 = tpu.memref_squeeze %dma_wait3A_38 : memref<1x4x1x8x128xf32, #tpu.memory_space<hbm>> -> memref<4x8x128xf32, #tpu.memory_space<hbm>>
    %dma_wait3A_40 = arith.constant 0 : i32
    %dma_wait3A_41 = arith.constant 0 : i32
    %dma_wait3A_42 = arith.constant 0 : i32
    %dma_wait3A_43 = tpu.memref_slice %arg4[%dma_wait3A_28, %dma_wait3A_40, %dma_wait3A_29, %dma_wait3A_41, %dma_wait3A_42] : memref<26x4x32x8x128xf32, #tpu.memory_space<hbm>> -> memref<1x4x1x8x128xf32, #tpu.memory_space<hbm>>
    %dma_wait3A_44 = tpu.memref_squeeze %dma_wait3A_43 : memref<1x4x1x8x128xf32, #tpu.memory_space<hbm>> -> memref<4x8x128xf32, #tpu.memory_space<hbm>>
    %dma_wait3A_45 = arith.constant 0 : i32
    %dma_wait3A_46 = arith.constant 0 : i32
    %dma_wait3A_47 = arith.constant 0 : i32
    %dma_wait3A_48 = tpu.memref_slice %arg7[%dma_wait3A_27, %dma_wait3A_45, %dma_wait3A_46, %dma_wait3A_47] : memref<2x4x8x128xf32, #tpu.memory_space<vmem>> -> memref<1x4x8x128xf32, #tpu.memory_space<vmem>>
    %dma_wait3A_49 = tpu.memref_squeeze %dma_wait3A_48 : memref<1x4x8x128xf32, #tpu.memory_space<vmem>> -> memref<4x8x128xf32, #tpu.memory_space<vmem>>
    tpu.wait_dma2 semaphore(%arg11 : memref<!tpu.dma_semaphore, #tpu.memory_space<semaphore_mem>>) src(%dma_wait3A_49 : memref<4x8x128xf32, #tpu.memory_space<vmem>>) dst(%dma_wait3A_44 : memref<4x8x128xf32, #tpu.memory_space<hbm>>)
    %dma_wait3A_50 = arith.constant 1 : i32
    %dma_wait3A_51 = arith.constant 0 : i32
    %dma_wait3A_52 = arith.constant 0 : i32
    %dma_wait3A_53 = arith.constant 0 : i32
    %dma_wait3A_54 = arith.constant 0 : i32
    %dma_wait3A_55 = arith.constant 0 : i32
    %dma_wait3A_56 = tpu.memref_slice %arg7[%dma_wait3A_50, %dma_wait3A_53, %dma_wait3A_54, %dma_wait3A_55] : memref<2x4x8x128xf32, #tpu.memory_space<vmem>> -> memref<1x4x8x128xf32, #tpu.memory_space<vmem>>
    %dma_wait3A_57 = tpu.memref_squeeze %dma_wait3A_56 : memref<1x4x8x128xf32, #tpu.memory_space<vmem>> -> memref<4x8x128xf32, #tpu.memory_space<vmem>>
    %dma_wait3A_58 = arith.constant 0 : i32
    %dma_wait3A_59 = arith.constant 0 : i32
    %dma_wait3A_60 = arith.constant 0 : i32
    %dma_wait3A_61 = tpu.memref_slice %arg4[%dma_wait3A_51, %dma_wait3A_58, %dma_wait3A_52, %dma_wait3A_59, %dma_wait3A_60] : memref<26x4x32x8x128xf32, #tpu.memory_space<hbm>> -> memref<1x4x1x8x128xf32, #tpu.memory_space<hbm>>
    %dma_wait3A_62 = tpu.memref_squeeze %dma_wait3A_61 : memref<1x4x1x8x128xf32, #tpu.memory_space<hbm>> -> memref<4x8x128xf32, #tpu.memory_space<hbm>>
    %dma_wait3A_63 = arith.constant 0 : i32
    %dma_wait3A_64 = arith.constant 0 : i32
    %dma_wait3A_65 = arith.constant 0 : i32
    %dma_wait3A_66 = tpu.memref_slice %arg4[%dma_wait3A_51, %dma_wait3A_63, %dma_wait3A_52, %dma_wait3A_64, %dma_wait3A_65] : memref<26x4x32x8x128xf32, #tpu.memory_space<hbm>> -> memref<1x4x1x8x128xf32, #tpu.memory_space<hbm>>
    %dma_wait3A_67 = tpu.memref_squeeze %dma_wait3A_66 : memref<1x4x1x8x128xf32, #tpu.memory_space<hbm>> -> memref<4x8x128xf32, #tpu.memory_space<hbm>>
    %dma_wait3A_68 = arith.constant 0 : i32
    %dma_wait3A_69 = arith.constant 0 : i32
    %dma_wait3A_70 = arith.constant 0 : i32
    %dma_wait3A_71 = tpu.memref_slice %arg7[%dma_wait3A_50, %dma_wait3A_68, %dma_wait3A_69, %dma_wait3A_70] : memref<2x4x8x128xf32, #tpu.memory_space<vmem>> -> memref<1x4x8x128xf32, #tpu.memory_space<vmem>>
    %dma_wait3A_72 = tpu.memref_squeeze %dma_wait3A_71 : memref<1x4x8x128xf32, #tpu.memory_space<vmem>> -> memref<4x8x128xf32, #tpu.memory_space<vmem>>
    tpu.wait_dma2 semaphore(%arg12 : memref<!tpu.dma_semaphore, #tpu.memory_space<semaphore_mem>>) src(%dma_wait3A_72 : memref<4x8x128xf32, #tpu.memory_space<vmem>>) dst(%dma_wait3A_67 : memref<4x8x128xf32, #tpu.memory_space<hbm>>)
    return
  }
}

</mosaic_0001>

<sc_bundles>
// kernel: kernel.4.cloned.1.call-start
scs
__scs_entry_jumppad:
0x0: {  	(pc) =	sbr.rel $0x88, $3  }
0x1: {  	(tag) =	ssettag $0x0;
	lr =	simm.s32 $0x1  }
0x2: {  	[smem:$0x3F9F] =	sst lr;
	_ =	strace $0xD0000000  }
0x3: {  	_ = 	snop  }
0x4: {  	_ = 	snop  }
0x5: {  	_ = 	snop  }
0x6: {  	_ = 	snop  }
0x7: {  	_ = 	snop  }
__scs_overlays_trampoline_lowered:
0x8: {  	[smem:$0x3FAE] =	sst s0  }
0x9: {  	[smem:$0x3FAF] =	sst s1  }
0xa: {  	[smem:$0x3FB0] =	sst s2  }
0xb: {  	[smem:$0x3FB1] =	sst s3  }
0xc: {  	[smem:$0x3FB2] =	sst s4  }
0xd: {  	[smem:$0x3FB3] =	sst s5  }
0xe: {  	[smem:$0x3FB4] =	sst s6  }
0xf: {  	[smem:$0x3FB5] =	sst s7  }
0x10: {  	[smem:$0x3FB6] =	sst s8  }
0x11: {  	[smem:$0x3FB7] =	sst s9;
	s0 =	simm.s32 @!p0 $0x0  }
0x12: {  	s1 =	sld [smem:$0x3F9D];
	s0 =	simm.s32 @p0 $0x1  }
0x13: {  	[smem:$0x3FB8] =	sst s0;
	s0 =	simm.s32 @!p1 $0x0  }
0x14: {  	s2 =	sld [smem:$0x3F9C];
	s0 =	simm.s32 @p1 $0x1  }
0x15: {  	[smem:$0x3FB9] =	sst s0;
	s0 =	simm.s32 @!p2 $0x0  }
0x16: {  	s3 =	sld [smem:$0x3FDB];
	s0 =	simm.s32 @p2 $0x1  }
0x17: {  	s4 =	simm.s32 $0x1BF5;
	[smem:$0x3FBB] =	sst s0  }
0x18: {  	s0 =	sld [smem:$0x3F9E];
	_ =	swait.ge [sflag:s4], $0x0  }
0x19: {  	s7 =	sld [smem:$0x3F9F]  }
0x1a: {  	s8 =	sadd.s32 $0xFFFFE003, lr  }
0x1b: {  	s9 =	sadd.s32 $0xFFFFFEF7, lr;
	s5 =	simm.s32 $0xFFFFFFFF;
	p2 =	slt.u32 s8, $0xFFFFF086  }
0x1c: {  	p1 =	slt.u32 s9, $0xF7A;
	s5 =	simm.s32 @!p2 $0x0  }
0x1d: {  	s5 =	simm.s32 @p1 $0x1;
	p0 =	seq.s32 s7, s2  }
0x1e: {  	s7 =	smul.u32 @!p0 $0xF7A, s2;
	p2 =	seq.s32 @!p0 s5, $0x0  }
0x1f: {  	s9 =	smul.u32 $0xF7A, s1;
	s8 =	simm.s32 @!p0 $0x1BF5;
	p2 =	por !p2, p0  }
0x20: {  	[sflag:s8] =	ssyncset.s32 @!p0 $0xFFFFF086;
	s6 =	sadd.s32 @!p0 s3, s7;
	s7 =	simm.s32 @!p0 $0x108  }
0x21: {  	s3 =	sadd.s32 s3, s9;
	s6 =	sadd.s32 @!p0 $0x88, s6;
	s7 =	simm.s32 @p2 $0x1082  }
0x22: {  	[simem:s7], [sflag:s8] =	dma.local @!p0 [hbm:s6], $0xF7A  }
0x23: {  	s9 =	sor.u32 $0xD0000000, s2;
	s6 =	simm.s32 $0x108;
	_ =	swait.ge @!p0 [sflag:s8], $0x0  }
0x24: {  	s3 =	sadd.s32 $0x88, s3;
	s6 =	simm.s32 @!p1 $0x1082;
	[sflag:s4] =	ssyncset.s32 $0xFFFFF086  }
0x25: {  	[simem:s6], [sflag:s4] =	dma.local [hbm:s3], $0xF7A  }
0x26: {  	[smem:$0x3F9F] =	sst s1;
	(tag) =	ssettag s2;
	_ =	strace s9  }
0x27: {  	s1 =	sld [smem:$0x3FAF]  }
0x28: {  	s2 =	sld [smem:$0x3FB0]  }
0x29: {  	s4 =	sld [smem:$0x3FB2]  }
0x2a: {  	p0 =	seq.s32 s5, $0x0;
	s5 =	sld [smem:$0x3FB3]  }
0x2b: {  	s6 =	sld [smem:$0x3FB4]  }
0x2c: {  	s7 =	sld [smem:$0x3FB5]  }
0x2d: {  	s3 =	simm.s32 $0x108;
	s8 =	sld [smem:$0x3FB6]  }
0x2e: {  	s3 =	simm.s32 @!p0 $0x1082;
	s9 =	sld [smem:$0x3FB7]  }
0x2f: {  	lr =	sadd.s32 s0, s3;
	s0 =	sld [smem:$0x3FAE]  }
0x30: {  	s3 =	sld [smem:$0x3FB1]  }
0x31: {  	[smem:$0x3FBA] =	sst s10  }
0x32: {  	s10 =	sld [smem:$0x3FB8];
	_ =	sdelay $0x3  }
0x33: {  	p0 =	seq.s32 s10, $0x1;
	s10 =	sld [smem:$0x3FBA];
	_ =	sdelay $0x3  }
0x34: {  	[smem:$0x3FBA] =	sst s10  }
0x35: {  	s10 =	sld [smem:$0x3FB9];
	_ =	sdelay $0x3  }
0x36: {  	p1 =	seq.s32 s10, $0x1;
	s10 =	sld [smem:$0x3FBA];
	_ =	sdelay $0x3  }
0x37: {  	[smem:$0x3FBA] =	sst s10  }
0x38: {  	s10 =	sld [smem:$0x3FBB]  }
0x39: {  	_ = 	snop;
	(pc) =	sbr.ind lr, $3  }
0x3a: {  	_ = 	snop  }
0x3b: {  	_ = 	snop  }
0x3c: {  	p2 =	seq.s32 s10, $0x1;
	s10 =	sld [smem:$0x3FBA]  }
0x3d: {  	_ =	shalt  }
0x3e: {  	_ =	shalt  }
0x3f: {  	_ =	shalt  }
0x40: {  	_ =	shalt  }
0x41: {  	_ =	shalt  }
0x42: {  	_ =	shalt  }
0x43: {  	_ =	shalt  }
0x44: {  	_ =	shalt  }
0x45: {  	_ =	shalt  }
0x46: {  	_ =	shalt  }
0x47: {  	_ =	shalt  }
0x48: {  	_ =	shalt  }
0x49: {  	_ =	shalt  }
0x4a: {  	_ =	shalt  }
0x4b: {  	_ =	shalt  }
0x4c: {  	_ =	shalt  }
0x4d: {  	_ =	shalt  }
0x4e: {  	_ =	shalt  }
0x4f: {  	_ =	shalt  }
0x50: {  	_ =	shalt  }
0x51: {  	_ =	shalt  }
0x52: {  	_ =	shalt  }
0x53: {  	_ =	shalt  }
0x54: {  	_ =	shalt  }
0x55: {  	_ =	shalt  }
0x56: {  	_ =	shalt  }
0x57: {  	_ =	shalt  }
0x58: {  	_ =	shalt  }
0x59: {  	_ =	shalt  }
0x5a: {  	_ =	shalt  }
0x5b: {  	_ =	shalt  }
0x5c: {  	_ =	shalt  }
0x5d: {  	_ =	shalt  }
0x5e: {  	_ =	shalt  }
0x5f: {  	_ =	shalt  }
0x60: {  	_ =	shalt  }
0x61: {  	_ =	shalt  }
0x62: {  	_ =	shalt  }
0x63: {  	_ =	shalt  }
0x64: {  	_ =	shalt  }
0x65: {  	_ =	shalt  }
0x66: {  	_ =	shalt  }
0x67: {  	_ =	shalt  }
0x68: {  	_ =	shalt  }
0x69: {  	_ =	shalt  }
0x6a: {  	_ =	shalt  }
0x6b: {  	_ =	shalt  }
0x6c: {  	_ =	shalt  }
0x6d: {  	_ =	shalt  }
0x6e: {  	_ =	shalt  }
0x6f: {  	_ =	shalt  }
0x70: {  	_ =	shalt  }
0x71: {  	_ =	shalt  }
0x72: {  	_ =	shalt  }
0x73: {  	_ =	shalt  }
0x74: {  	_ =	shalt  }
0x75: {  	_ =	shalt  }
0x76: {  	_ =	shalt  }
0x77: {  	_ =	shalt  }
0x78: {  	_ =	shalt  }
0x79: {  	_ =	shalt  }
0x7a: {  	_ =	shalt  }
0x7b: {  	_ =	shalt  }
0x7c: {  	_ =	shalt  }
0x7d: {  	_ =	shalt  }
0x7e: {  	_ =	shalt  }
0x7f: {  	_ =	shalt  }
0x80: {  	_ =	shalt  }
0x81: {  	_ =	shalt  }
0x82: {  	_ =	shalt  }
0x83: {  	_ =	shalt  }
0x84: {  	_ =	shalt  }
0x85: {  	_ =	shalt  }
0x86: {  	_ =	shalt  }
0x87: {  	_ =	shalt  }
.Lfunc_end0:
.L_simem_size_0:
called_computation_lowered:
.L_overlay_start_0:
0x88: {  	s2 =	sld [smem:$0x3FD9]  }
0x89: {  	s3 =	sld [smem:$0x3FFE];
	_ =	sdelay $0x1  }
0x8a: {  	s1 =	srdreg.scid  }
0x8b: {  	s0 =	sand.u32 $0x1, s1  }
0x8c: {  	s17 =	sshll.u32 s0, $0xA;
	s2 =	sadd.s32 s3, s2  }
0x8d: {  	s2 =	sadd.s32 s2, s17  }
0x8e: {  	[smem:$0x3FC6] =	sst s2  }
0x8f: {  	_ = 	snop  }
0x90: {  	s2 =	sld [smem:$0x3FC8];
	(tm) =	ssettm $0x1  }
0x91: {  	s18 =	sld [smem:$0x3FFB];
	_ =	sdelay $0x3  }
0x92: {  	_ =	strace s18  }
0x93: {  	s3 =	sld [smem:$0x3FFC];
	_ =	sdelay $0x3  }
0x94: {  	_ =	strace s3  }
0x95: {  	s3 =	sld [smem:$0x3FFD];
	_ =	sdelay $0x3  }
0x96: {  	_ =	strace s3  }
0x97: {  	_ =	strace $0x8FFFFFFF  }
0x98: {  	s19 =	sld [smem:$0x3FDB];
	_ =	sdelay $0x1  }
0x99: {  	s4 =	simm.s32 $_scs_section_size  }
0x9a: {  	s5 =	simm.s32 $_size__tile_overlayer_lowered;
	s6 =	simm.s32 $_tile_overlayer_lowered  }
0x9b: {  	s22 =	simm.s32 $0x1BFF;
	s21 =	sshll.u32 s6, $0x1;
	s3 =	sadd.s32 s4, s19  }
0x9c: {  	s7 =	simm.s32 $0x0;
	s20 =	sshll.u32 s5, $0x1;
	s5 =	sadd.s32 s21, s3  }
0x9d: {  	[timem:s7], [sflag:s22] =	dma.local [hbm:s5], s20  }
0x9e: {  	_ =	swait.ge [sflag:s22], s20  }
0x9f: {  	s4 =	ssub.s32 $0x0, s20;
	[sflag:s22] =	ssyncset.done $0x0  }
0xa0: {  	[sflag:s22] =	ssyncadd.s32 s4;
	_ =	sdelay $0x1  }
0xa1: {  	s23 =	simm.s32 $0x1B8B  }
0xa2: {  	_ =	swait.ge [sflag:s23], $0x1  }
0xa3: {  	[sflag:s23] =	ssyncset.done $0x0  }
0xa4: {  	s25 =	simm.s32 $0x1B8E;
	s24 =	sld [smem:$0x3FFE];
	[sflag:s23] =	ssyncadd.s32 $0xFFFFFFFF  }
0xa5: {  	s26 =	simm.s32 $execute0_lowered;
	[smem:$0x3FD2] =	sst s25  }
0xa6: {  	s5 =	sshll.u32 s26, $0x1;
	_ =	strace $0x80000046;
	[dreg:$0x1] =	wrdreg $0xFFFFFFFF  }
0xa7: {  	s28 =	simm.s32 $_size_execute0_lowered;
	s3 =	sadd.s32 s3, s5;
	[dreg:$0x0] =	wrdreg $0x0  }
0xa8: {  	s5 =	sshll.u32 s28, $0x1;
	[dreg:$0x2] =	wrdreg s3  }
0xa9: {  	[dreg:$0x3] =	wrdreg s5  }
0xaa: {  	[dreg:$0x4] =	wrdreg $0xC0  }
0xab: {  	_ =	task [dreg:s7], $0x5FFFF  }
0xac: {  	[dreg:$0x1] =	wrdreg $0xFFFFFFFF  }
0xad: {  	[dreg:$0x0] =	wrdreg $0x60  }
0xae: {  	[dreg:$0x2] =	wrdreg s2  }
0xaf: {  	[dreg:$0x3] =	wrdreg s24  }
0xb0: {  	[dreg:$0x4] =	wrdreg $0x9  }
0xb1: {  	_ =	task.clear_ibuf [dreg:s7], $0x5FFFF;
	_ =	strace $0x90000046  }
0xb2: {  	s29 =	simm.s32 $0x9;
	_ =	strace $0x80000048  }
0xb3: {  	_ =	swait.ge [sflag:s29], $0x1  }
0xb4: {  	[sflag:s29] =	ssyncadd.s32 $0xFFFFFFFF  }
0xb5: {  	_ =	strace $0x90000048  }
0xb6: {  	_ =	sfence  }
0xb7: {  	s30 =	sld [smem:$0x0];
	_ =	sdelay $0x2  }
0xb8: {  	s31 =	sshll.u32 s1, $0xD;
	s1 =	sshrl.u32 s1, $0x2  }
0xb9: {  	s3 =	sand.u32 $0x4000, s31;
	s1 =	sadd.s32 s1, s30  }
0xba: {  	s0 =	sor.u32 s3, s0;
	s1 =	sshll.u32 s1, $0x11  }
0xbb: {  	s0 =	sor.u32 s1, s0  }
0xbc: {  	s0 =	sadd.s32 $0x8F2B, s0  }
0xbd: {  	[sflag:s0] =	ssyncadd.remote.s32 $0x1  }
0xbe: {  	_ =	sfence.sel $0xFFFF  }
0xbf: {  	[dreg:$0x0] =	wrdreg $0xFFFFFFFF;
	(pc) =	sbr.abs _section_cstart, $3  }
0xc0: {  	[dreg:$0x1] =	wrdreg $0xFFFFFFFF  }
0xc1: {  	_ =	task.clear_ibuf [dreg:s7], $0x2FFFF;
	_ =	strace $0x9FFFFFFF  }
0xc2: {  	(tm) =	ssettm $0x7FFFFFFF  }
0xc3: {  	_ =	shalt  }
tec
execute0_lowered:
.L_overlay_start_1:
0x0: {  	(tag) =	ssettag $0x1  }
0x1: {  	v0 =	vimm.s32 $0xB80;
	vm0 =	vcmask $0x300;
	v1 =	vimm.s32 $0x1B80  }
0x2: {  	vm1 =	vcmask $0x704;
	v0 =	vsel vm0, $0x0, v0;
	v1 =	vsel vm0, $0x1000, v1  }
0x3: {  	vm15 =	vcmask $0xB08;
	v0 =	vsel vm1, $0x80, v0;
	v1 =	vsel vm1, $0x1080, v1  }
0x4: {  	vm4 =	vcmask $0xF0C;
	v0 =	vsel vm15, $0x100, v0;
	v1 =	vsel vm15, $0x1100, v1  }
0x5: {  	s0 =	rddreg [dreg:$0x0];
	vm5 =	vcmask $0x1310;
	s1 =	srdreg.scid;
	v0 =	vsel vm4, $0x180, v0;
	v1 =	vsel vm4, $0x1180, v1  }
0x6: {  	s3 =	stileid.u32;
	vm6 =	vcmask $0x1714;
	s2 =	rddreg [dreg:$0x1];
	v0 =	vsel vm5, $0x200, v0;
	v1 =	vsel vm5, $0x1200, v1  }
0x7: {  	vm7 =	vcmask $0x1B18;
	s15 =	simm.s32 $0x1;
	s16 =	simm.s32 $0x4000;
	s17 =	simm.s32 $0x2;
	v0 =	vsel vm6, $0x280, v0;
	v1 =	vsel vm6, $0x1280, v1  }
0x8: {  	vm8 =	vcmask $0x1F1C;
	s18 =	simm.s32 $0x2000;
	s1 =	sand.u32 $0x1, s1;
	s4 =	sshll.u32 s3, $0x1;
	v0 =	vsel vm7, $0x300, v0;
	v1 =	vsel vm7, $0x1300, v1  }
0x9: {  	vm9 =	vcmask $0x2320;
	s3 =	simm.s32 $0x0;
	s4 =	sor.u32 s1, s4;
	s1 =	ssub.s32 $0x2, s1;
	v0 =	vsel vm8, $0x380, v0;
	v1 =	vsel vm8, $0x1380, v1  }
0xa: {  	vm10 =	vcmask $0x2724;
	[smem:$0x7FF] =	sst s3;
	s5 =	sshll.u32 s4, $0x7;
	s7 =	sshrl.u32 s1, $0x1;
	v0 =	vsel vm9, $0x800, v0;
	v1 =	vsel vm9, $0x1800, v1  }
0xb: {  	vm11 =	vcmask $0x2B28;
	_ =	strace $0x80000047;
	s5 =	sadd.s32 s0, s5;
	s1 =	ssub.s32 s1, s7;
	v0 =	vsel vm10, $0x880, v0;
	v1 =	vsel vm10, $0x1880, v1  }
.Ltmp0:
0xc: {  	vm12 =	vcmask $0x2F2C;
	s29 =	sadd.s32 $0x1E8500, s5;
	[dreg:$0x3] =	wrdreg s5;
	v0 =	vsel vm11, $0x900, v0;
	v1 =	vsel vm11, $0x1900, v1;
	(pc) =	sbr.rel .LBB2_1-.Ltmp0, $4  }
0xd: {  	vm13 =	vcmask $0x3330;
	s19 =	simm.s32 $0x5000;
	s1 =	smax.u32 s1, $0x1;
	[dreg:$0x4] =	wrdreg s29;
	v0 =	vsel vm12, $0x980, v0;
	v1 =	vsel vm12, $0x1980, v1  }
0xe: {  	vm14 =	vcmask $0x3734;
	s21 =	simm.s32 $0x4;
	s30 =	sadd.s32 $0x2DC780, s5;
	[dreg:$0x5] =	wrdreg s1;
	v0 =	vsel vm13, $0xA00, v0;
	v1 =	vsel vm13, $0x1A00, v1  }
0xf: {  	s22 =	simm.s32 $0x0;
	vm15 =	vcmask $0x3B38;
	s31 =	sadd.s32 $0xF4280, s5;
	[dreg:$0x6] =	wrdreg s30;
	v0 =	vsel vm14, $0xA80, v0;
	v1 =	vsel vm14, $0x1A80, v1  }
0x10: {  	s6 =	sadd.s32 $0xA00, s2;
	s8 =	sor.u32 $0x40, s4;
	[dreg:$0x7] =	wrdreg s31;
	v0 =	vsel vm15, $0xB00, v0;
	v1 =	vsel vm15, $0x1B00, v1  }
.LBB2_11:
0x11: {  	s1 =	simm.s32 $0x3  }
0x12: {  	_ =	swait.ge [sflag:s1], $0x1000  }
0x13: {  	[sflag:s1] =	ssyncset.done $0x0  }
0x14: {  	[sflag:s1] =	ssyncadd.s32 $0xFFFFF000  }
0x15: {  	_ =	swait.ge [sflag:s21], $0x1000  }
0x16: {  	s22 =	sadd.s32 $0x1, s22;
	s31 =	rddreg [dreg:$0x5]  }
0x17: {  	p0 =	sne.s32 s22, s31  }
.Ltmp1:
0x18: {  	_ = 	snop;
	(pc) =	sbr.rel @!p0 .LBB2_12-.Ltmp1, $3  }
0x19: {  	_ =	sdelay $0x1  }
0x1a: {  	[sflag:s21] =	ssyncset.done $0x0  }
0x1b: {  	[sflag:s21] =	ssyncadd.s32 $0xFFFFF000  }
.LBB2_1:
0x1c: {  	s1 =	rddreg [dreg:$0x3]  }
0x1d: {  	[tilespmem:s3], [sflag:$0x1] =	stream.linear.gather [hbm4b:s1+s3], $0x400, $0x38;
	[tilespmem:$0x6000] =	vst v63  }
0x1e: {  	s26 =	rddreg [dreg:$0x7];
	s2 =	simm.s32 $0x800  }
0x1f: {  	[tilespmem:s2], [sflag:$0x1] =	stream.linear.gather [hbm4b:s26+s3], $0x400, $0x38;
	[tilespmem:$0x6000] =	vst v63  }
.Ltmp2:
0x20: {  	_ = 	snop;
	(pc) =	sbr.rel .LBB2_2-.Ltmp2, $4  }
0x21: {  	s28 =	rddreg [dreg:$0x4];
	s29 =	simm.s32 $0x1000  }
0x22: {  	[tilespmem:s29], [sflag:$0x1] =	stream.linear.gather [hbm4b:s28+s3], $0x400, $0x38;
	[tilespmem:$0x6000] =	vst v63  }
0x23: {  	s30 =	rddreg [dreg:$0x6];
	s31 =	simm.s32 $0x1800;
	s23 =	simm.s32 $0x0  }
0x24: {  	[tilespmem:s31], [sflag:$0x1] =	stream.linear.gather [hbm4b:s30+s3], $0x400, $0x38;
	[tilespmem:$0x6000] =	vst v63  }
.LBB2_10:
0x25: {  	s23 =	sadd.s32 $0x1, s23  }
0x26: {  	p0 =	sne.s32 s23, $0x7B  }
.Ltmp3:
0x27: {  	_ = 	snop;
	(pc) =	sbr.rel @!p0 .LBB2_11-.Ltmp3, $1  }
0x28: {  	_ =	sdelay $0x3  }
.LBB2_2:
0x29: {  	s25 =	sshll.u32 s23, $0x6  }
0x2a: {  	s26 =	sor.u32 s4, s25  }
0x2b: {  	s24 =	sor.u32 $0x20, s26  }
0x2c: {  	p1 =	sgt.u32 s24, $0x1E84  }
0x2d: {  	s1 =	sshll.u32 @!p1 s24, $0x7  }
0x2e: {  	s2 =	simm.s32 @!p1 $0x0;
	s7 =	simm.s32 @!p1 $0x2000;
	s1 =	sadd.s32 @!p1 s0, s1  }
0x2f: {  	[tilespmem:s7], [sflag:$0x2] =	stream.linear.gather @!p1 [hbm4b:s1+s2], $0x400, $0x38;
	[tilespmem:$0x6000] =	vst v63  }
0x30: {  	p2 =	sgt.u32 s26, $0x1E84;
	s9 =	simm.s32 @!p1 $0x2800;
	s7 =	sadd.s32 @!p1 $0xF4280, s1  }
0x31: {  	[tilespmem:s9], [sflag:$0x2] =	stream.linear.gather @!p1 [hbm4b:s7+s2], $0x400, $0x38;
	[tilespmem:$0x6000] =	vst v63  }
.Ltmp4:
0x32: {  	_ = 	snop;
	(pc) =	sbr.rel @p2 .LBB2_6-.Ltmp4, $4  }
0x33: {  	s7 =	sadd.s32 @!p1 $0x1E8500, s1;
	s9 =	simm.s32 @!p1 $0x3000  }
0x34: {  	[tilespmem:s9], [sflag:$0x2] =	stream.linear.gather @!p1 [hbm4b:s7+s2], $0x400, $0x38;
	[tilespmem:$0x6000] =	vst v63  }
0x35: {  	p0 =	seq.s32 s23, $0x0;
	s1 =	sadd.s32 @!p1 $0x2DC780, s1;
	s7 =	simm.s32 @!p1 $0x3800  }
0x36: {  	[tilespmem:s7], [sflag:$0x2] =	stream.linear.gather @!p1 [hbm4b:s1+s2], $0x400, $0x38;
	[tilespmem:$0x6000] =	vst v63  }
0x37: {  	_ =	swait.ge [sflag:s15], $0x1000;
	s1 =	simm.s32 $0x1  }
0x38: {  	s2 =	simm.s32 $0x2;
	[sflag:s15] =	ssyncset.done $0x0;
	v2 =	vor.u32 s1, v0  }
0x39: {  	s7 =	simm.s32 @!p0 $0x3;
	s9 =	simm.s32 $0x0;
	v3 =	vor.u32 s2, v0;
	[sflag:s15] =	ssyncadd.s32 $0xFFFFF000  }
0x3a: {  	s10 =	simm.s32 $0x3;
	v4 =	vor.u32 s9, v0;
	_ =	swait.ge @!p0 [sflag:s7], $0x1000  }
0x3b: {  	s12 =	simm.s32 $0x7;
	v5 =	vor.u32 s10, v0;
	[sflag:s7] =	ssyncset.done @!p0 $0x0  }
0x3c: {  	s5 =	simm.s32 $0x4;
	v6 =	vor.u32 s12, v0;
	[sflag:s7] =	ssyncadd.s32 @!p0 $0xFFFFF000  }
0x3d: {  	s13 =	simm.s32 $0x5;
	v7 =	vor.u32 s5, v0;
	v2 =	vld.idx.msk [tilespmem:v2+s3+$0x0], $0xffff  }
0x3e: {  	s14 =	simm.s32 $0x6;
	v8 =	vor.u32 s13, v0;
	v3 =	vld.idx.msk [tilespmem:v3+s3+$0x0], $0xffff  }
0x3f: {  	v9 =	vor.u32 s14, v0;
	v4 =	vld.idx.msk [tilespmem:v4+s3+$0x0], $0xffff  }
0x40: {  	v10 =	vor.u32 s1, v1;
	v5 =	vld.idx.msk [tilespmem:v5+s3+$0x0], $0xffff  }
0x41: {  	v11 =	vor.u32 s2, v1;
	v6 =	vld.idx.msk [tilespmem:v6+s3+$0x0], $0xffff  }
0x42: {  	s28 =	simm.s32 $0x4040;
	v12 =	vor.u32 s10, v1;
	s10 =	simm.s32 $0x0;
	v7 =	vld.idx.msk [tilespmem:v7+s3+$0x0], $0xffff  }
0x43: {  	s29 =	simm.s32 $0xE0;
	v13 =	vor.u32 s12, v1;
	s1 =	sand.u32 $0xC00, s10;
	v8 =	vld.idx.msk [tilespmem:v8+s3+$0x0], $0xffff;
	[tilespmem:s28+$0xFFFFFFE0] =	vst v2  }
0x44: {  	s11 =	simm.s32 $0x80;
	v14 =	vor.u32 s5, v1;
	s12 =	sand.u32 $0x380, s29;
	s1 =	sor.u32 $0x4000, s1;
	v9 =	vld.idx.msk [tilespmem:v9+s3+$0x0], $0xffff;
	[tilespmem:s28+$0x0] =	vst v3  }
0x45: {  	s2 =	sand.u32 $0x380, s11;
	v16 =	vor.u32 s14, v1;
	s14 =	sor.u32 s12, s1;
	[tilespmem:s28+$0x20] =	vst v5;
	v15 =	vld.idx.msk [tilespmem:v10+s3+$0x0], $0xffff;
	v10 =	vor.u32 s13, v1  }
0x46: {  	s20 =	simm.s32 $0xC0;
	s2 =	sor.u32 s2, s1;
	[tilespmem:s14+$0x60] =	vst v6;
	s13 =	simm.s32 $0xA0;
	v2 =	vld.idx.msk [tilespmem:v11+s3+$0x0], $0xffff  }
0x47: {  	s7 =	sand.u32 $0x380, s20;
	[tilespmem:s2+$0x0] =	vst v7;
	v7 =	vor.u32 s9, v1;
	v3 =	vld.idx.msk [tilespmem:v12+s3+$0x0], $0xffff;
	s10 =	sand.u32 $0x380, s13;
	s13 =	simm.s32 $0x9  }
0x48: {  	[tilespmem:s28+$0xFFFFFFC0] =	vst v4;
	v4 =	vld.idx.msk [tilespmem:v13+s3+$0x0], $0xffff;
	s12 =	sor.u32 s10, s1;
	s1 =	sor.u32 s7, s1;
	s7 =	simm.s32 $0xA;
	v12 =	vor.u32 s13, v0  }
0x49: {  	s30 =	simm.s32 $0x8;
	v5 =	vld.idx.msk [tilespmem:v14+s3+$0x0], $0xffff;
	[tilespmem:s12+$0x20] =	vst v8;
	v11 =	vor.u32 s7, v0  }
0x4a: {  	s10 =	simm.s32 $0xB;
	[tilespmem:s1+$0x40] =	vst v9;
	v6 =	vld.idx.msk [tilespmem:v10+s3+$0x0], $0xffff;
	v10 =	vor.u32 s30, v0  }
0x4b: {  	s31 =	simm.s32 $0x10;
	s9 =	simm.s32 $0xF;
	v8 =	vor.u32 s10, v0;
	v9 =	vld.idx.msk [tilespmem:v16+s3+$0x0], $0xffff;
	[tilespmem:s28+$0xFFFFFFF0] =	vst v15  }
.LBB2_4:
0x4c: {  	p2 =	slt.u32 s31, $0x78;
	s11 =	sadd.s32 $0x4, s30;
	v13 =	vor.u32 s9, v0;
	v7 =	vld.idx.msk [tilespmem:v7+s3+$0x0], $0xffff;
	[tilespmem:s28+$0x10] =	vst v2  }
0x4d: {  	s5 =	sadd.s32 $0x5, s30;
	v2 =	vld.idx.msk [tilespmem:v12+s3+$0x0], $0xffff;
	v12 =	vor.u32 s11, v0;
	[tilespmem:s28+$0x30] =	vst v3  }
0x4e: {  	s20 =	sadd.s32 $0x6, s30;
	v3 =	vld.idx.msk [tilespmem:v11+s3+$0x0], $0xffff;
	v11 =	vor.u32 s5, v0;
	[tilespmem:s14+$0x70] =	vst v4  }
0x4f: {  	v4 =	vld.idx.msk [tilespmem:v10+s3+$0x0], $0xffff;
	v10 =	vor.u32 s20, v0;
	[tilespmem:s2+$0x10] =	vst v5  }
0x50: {  	v5 =	vor.u32 s13, v1;
	v8 =	vld.idx.msk [tilespmem:v8+s3+$0x0], $0xffff;
	[tilespmem:s12+$0x30] =	vst v6  }
0x51: {  	s29 =	sadd.s32 $0x100, s29;
	v6 =	vor.u32 s7, v1;
	v13 =	vld.idx.msk [tilespmem:v13+s3+$0x0], $0xffff;
	[tilespmem:s1+$0x50] =	vst v9  }
0x52: {  	v19 =	vor.u32 s5, v1;
	s5 =	sand.u32 $0x380, s29;
	v9 =	vor.u32 s10, v1;
	v14 =	vld.idx.msk [tilespmem:v12+s3+$0x0], $0xffff;
	[tilespmem:s28+$0xFFFFFFD0] =	vst v7;
	s28 =	sadd.s32 $0x100, s28  }
0x53: {  	s2 =	sadd.s32 $0xFFFFFFA0, s29;
	s7 =	sadd.s32 $0xFFFFFFC0, s29;
	s1 =	sadd.s32 $0xFFFFFF20, s29;
	[tilespmem:s28+$0xFFFFFFE0] =	vst v2;
	v15 =	vld.idx.msk [tilespmem:v11+s3+$0x0], $0xffff;
	v11 =	vor.u32 s9, v1  }
0x54: {  	v16 =	vor.u32 s11, v1;
	s2 =	sand.u32 $0x380, s2;
	s1 =	sand.u32 $0xC00, s1;
	s9 =	sadd.s32 $0xFFFFFFE0, s29;
	[tilespmem:s28+$0x0] =	vst v3;
	v17 =	vld.idx.msk [tilespmem:v10+s3+$0x0], $0xffff  }
0x55: {  	s13 =	sadd.s32 $0x1, s31;
	s7 =	sand.u32 $0x380, s7;
	s1 =	sor.u32 $0x4000, s1;
	[tilespmem:s28+$0xFFFFFFC0] =	vst v4;
	v18 =	vld.idx.msk [tilespmem:v5+s3+$0x0], $0xffff  }
0x56: {  	v20 =	vor.u32 s20, v1;
	s2 =	sor.u32 s2, s1;
	s9 =	sand.u32 $0x380, s9;
	s14 =	sor.u32 s5, s1;
	v2 =	vld.idx.msk [tilespmem:v6+s3+$0x0], $0xffff;
	[tilespmem:s28+$0x20] =	vst v8  }
.Ltmp5:
0x57: {  	v7 =	vor.u32 s30, v1;
	s12 =	sor.u32 s7, s1;
	s1 =	sor.u32 s9, s1;
	v3 =	vld.idx.msk [tilespmem:v9+s3+$0x0], $0xffff;
	[tilespmem:s14+$0x60] =	vst v13;
	(pc) =	sbr.rel @p2 .LBB2_4-.Ltmp5, $4  }
0x58: {  	v12 =	vor.u32 s13, v0;
	s30 =	smov.u32 s31;
	s7 =	sadd.s32 $0x2, s31;
	[tilespmem:s2+$0x0] =	vst v14;
	v4 =	vld.idx.msk [tilespmem:v11+s3+$0x0], $0xffff  }
0x59: {  	v11 =	vor.u32 s7, v0;
	v5 =	vld.idx.msk [tilespmem:v16+s3+$0x0], $0xffff;
	[tilespmem:s12+$0x20] =	vst v15  }
0x5a: {  	s10 =	sadd.s32 $0x3, s31;
	v10 =	vor.u32 s31, v0;
	v6 =	vld.idx.msk [tilespmem:v19+s3+$0x0], $0xffff;
	[tilespmem:s1+$0x40] =	vst v17  }
0x5b: {  	s31 =	sadd.s32 $0x8, s31;
	s9 =	sadd.s32 $0x7, s30;
	v8 =	vor.u32 s10, v0;
	[tilespmem:s28+$0xFFFFFFF0] =	vst v18;
	v9 =	vld.idx.msk [tilespmem:v20+s3+$0x0], $0xffff  }
0x5c: {  	_ =	sdelay $0x2  }
0x5d: {  	[tilespmem:s28+$0x10] =	vst v2  }
0x5e: {  	s5 =	sadd.s32 $0x4, s30;
	v2 =	vor.u32 s9, v0;
	v7 =	vld.idx.msk [tilespmem:v7+s3+$0x0], $0xffff;
	[tilespmem:s28+$0x30] =	vst v3  }
0x5f: {  	v3 =	vld.idx.msk [tilespmem:v12+s3+$0x0], $0xffff;
	s11 =	sadd.s32 $0x5, s30;
	v48 =	vor.u32 s5, v0;
	[tilespmem:s14+$0x70] =	vst v4  }
0x60: {  	v49 =	vld.idx.msk [tilespmem:v11+s3+$0x0], $0xffff;
	v50 =	vor.u32 s11, v0;
	[tilespmem:s2+$0x10] =	vst v5  }
0x61: {  	v51 =	vld.idx.msk [tilespmem:v10+s3+$0x0], $0xffff;
	v53 =	vor.u32 s13, v1;
	s14 =	sadd.s32 $0x6, s30;
	[tilespmem:s12+$0x30] =	vst v6  }
0x62: {  	v8 =	vld.idx.msk [tilespmem:v8+s3+$0x0], $0xffff;
	v52 =	vor.u32 s14, v0;
	[tilespmem:s1+$0x50] =	vst v9  }
0x63: {  	v54 =	vor.u32 s7, v1;
	s31 =	sadd.s32 $0x100, s29;
	s2 =	sadd.s32 $0x100, s28;
	v2 =	vld.idx.msk [tilespmem:v2+s3+$0x0], $0xffff;
	[tilespmem:s28+$0xFFFFFFD0] =	vst v7  }
0x64: {  	v55 =	vor.u32 s10, v1;
	s12 =	sadd.s32 $0xFFFFFF20, s31;
	[tilespmem:s2+$0xFFFFFFE0] =	vst v3;
	v12 =	vld.idx.msk [tilespmem:v48+s3+$0x0], $0xffff  }
0x65: {  	v56 =	vor.u32 s9, v1;
	s7 =	sand.u32 $0xC00, s12;
	[tilespmem:s2+$0x0] =	vst v49;
	v3 =	vld.idx.msk [tilespmem:v50+s3+$0x0], $0xffff  }
0x66: {  	s13 =	sadd.s32 $0xFFFFFFA0, s31;
	v57 =	vor.u32 s5, v1;
	[tilespmem:s2+$0xFFFFFFC0] =	vst v51;
	s20 =	sor.u32 $0x4000, s7;
	s28 =	sand.u32 $0x380, s31;
	v58 =	vld.idx.msk [tilespmem:v53+s3+$0x0], $0xffff  }
0x67: {  	s29 =	sadd.s32 $0xFFFFFFC0, s31;
	v59 =	vor.u32 s11, v1;
	s9 =	sand.u32 $0x380, s13;
	[tilespmem:s2+$0x20] =	vst v8;
	s7 =	sor.u32 s28, s20;
	v10 =	vld.idx.msk [tilespmem:v52+s3+$0x0], $0xffff  }
0x68: {  	s10 =	sand.u32 $0x380, s29;
	v61 =	vor.u32 s14, v1;
	v60 =	vld.idx.msk [tilespmem:v54+s3+$0x0], $0xffff;
	s9 =	sor.u32 s9, s20;
	[tilespmem:s7+$0x60] =	vst v2  }
0x69: {  	s1 =	sadd.s32 $0xFFFFFFE0, s31;
	v7 =	vld.idx.msk [tilespmem:v55+s3+$0x0], $0xffff;
	s10 =	sor.u32 s10, s20;
	v2 =	vor.u32 s30, v1;
	[tilespmem:s9+$0x0] =	vst v12  }
0x6a: {  	s1 =	sand.u32 $0x380, s1;
	v11 =	vld.idx.msk [tilespmem:v56+s3+$0x0], $0xffff;
	[tilespmem:s10+$0x20] =	vst v3  }
0x6b: {  	s1 =	sor.u32 s1, s20;
	[tilespmem:s2+$0xFFFFFFF0] =	vst v58;
	v3 =	vld.idx.msk [tilespmem:v57+s3+$0x0], $0xffff  }
0x6c: {  	[tilespmem:s1+$0x40] =	vst v10;
	v62 =	vld.idx.msk [tilespmem:v59+s3+$0x0], $0xffff  }
0x6d: {  	[tilespmem:s2+$0x10] =	vst v60;
	v63 =	vld.idx.msk [tilespmem:v61+s3+$0x0], $0xffff  }
0x6e: {  	[tilespmem:s2+$0x30] =	vst v7;
	v2 =	vld.idx.msk [tilespmem:v2+s3+$0x0], $0xffff  }
0x6f: {  	[tilespmem:s7+$0x70] =	vst v11  }
0x70: {  	[tilespmem:s9+$0x10] =	vst v3  }
0x71: {  	[tilespmem:s10+$0x30] =	vst v62  }
0x72: {  	s31 =	sshll.u32 s26, $0x9;
	[tilespmem:s1+$0x50] =	vst v63  }
0x73: {  	s1 =	sadd.s32 s6, s31;
	[tilespmem:s2+$0xFFFFFFD0] =	vst v2  }
0x74: {  	[hbm4b:s1+s3] =	stream.linear.scatter [tilespmem:s16], [sflag:$0x3], $0x1000, $0x38;
	[tilespmem:$0x6000] =	vst v63  }
.LBB2_6:
0x75: {  	s1 =	sadd.s32 s8, s25  }
0x76: {  	p2 =	sgt.u32 s1, $0x1E84  }
0x77: {  	s1 =	sshll.u32 @!p2 s1, $0x7  }
0x78: {  	s2 =	simm.s32 @!p2 $0x0;
	s1 =	sadd.s32 @!p2 s0, s1  }
0x79: {  	[tilespmem:s2], [sflag:$0x1] =	stream.linear.gather @!p2 [hbm4b:s1+s2], $0x400, $0x38;
	[tilespmem:$0x6000] =	vst v63  }
0x7a: {  	s7 =	simm.s32 @!p2 $0x800;
	s5 =	sadd.s32 @!p2 $0xF4280, s1  }
0x7b: {  	[tilespmem:s7], [sflag:$0x1] =	stream.linear.gather @!p2 [hbm4b:s5+s2], $0x400, $0x38;
	[tilespmem:$0x6000] =	vst v63  }
.Ltmp6:
0x7c: {  	_ = 	snop;
	(pc) =	sbr.rel @p1 .LBB2_10-.Ltmp6, $4  }
0x7d: {  	s5 =	sadd.s32 @!p2 $0x1E8500, s1;
	s7 =	simm.s32 @!p2 $0x1000  }
0x7e: {  	[tilespmem:s7], [sflag:$0x1] =	stream.linear.gather @!p2 [hbm4b:s5+s2], $0x400, $0x38;
	[tilespmem:$0x6000] =	vst v63  }
0x7f: {  	s1 =	sadd.s32 @!p2 $0x2DC780, s1;
	s5 =	simm.s32 @!p2 $0x1800  }
0x80: {  	[tilespmem:s5], [sflag:$0x1] =	stream.linear.gather @!p2 [hbm4b:s1+s2], $0x400, $0x38;
	[tilespmem:$0x6000] =	vst v63  }
0x81: {  	_ =	swait.ge [sflag:s17], $0x1000;
	s1 =	simm.s32 $0x1  }
0x82: {  	s2 =	simm.s32 $0x2;
	[sflag:s17] =	ssyncset.done $0x0;
	v2 =	vor.u32 s1, v0  }
0x83: {  	s5 =	simm.s32 @!p0 $0x4;
	s7 =	simm.s32 $0x0;
	v3 =	vor.u32 s2, v0;
	[sflag:s17] =	ssyncadd.s32 $0xFFFFF000  }
0x84: {  	s9 =	simm.s32 $0x3;
	v4 =	vor.u32 s7, v0;
	_ =	swait.ge @!p0 [sflag:s5], $0x1000  }
0x85: {  	s10 =	simm.s32 $0x7;
	v5 =	vor.u32 s9, v0;
	[sflag:s5] =	ssyncset.done @!p0 $0x0  }
0x86: {  	s31 =	simm.s32 $0x4;
	v6 =	vor.u32 s10, v0;
	[sflag:s5] =	ssyncadd.s32 @!p0 $0xFFFFF000  }
0x87: {  	s11 =	simm.s32 $0x5;
	v7 =	vor.u32 s31, v0;
	v2 =	vld.idx.msk [tilespmem:v2+s18+$0x0], $0xffff  }
0x88: {  	s12 =	simm.s32 $0x6;
	v8 =	vor.u32 s11, v0;
	v3 =	vld.idx.msk [tilespmem:v3+s18+$0x0], $0xffff  }
0x89: {  	v9 =	vor.u32 s12, v0;
	v4 =	vld.idx.msk [tilespmem:v4+s18+$0x0], $0xffff  }
0x8a: {  	v10 =	vor.u32 s1, v1;
	v5 =	vld.idx.msk [tilespmem:v5+s18+$0x0], $0xffff  }
0x8b: {  	v11 =	vor.u32 s2, v1;
	v6 =	vld.idx.msk [tilespmem:v6+s18+$0x0], $0xffff  }
0x8c: {  	s25 =	simm.s32 $0x5070;
	s13 =	simm.s32 $0x0;
	v12 =	vor.u32 s9, v1;
	v7 =	vld.idx.msk [tilespmem:v7+s18+$0x0], $0xffff  }
0x8d: {  	s26 =	simm.s32 $0xE0;
	v13 =	vor.u32 s10, v1;
	s1 =	sand.u32 $0xC00, s13;
	v8 =	vld.idx.msk [tilespmem:v8+s18+$0x0], $0xffff;
	[tilespmem:s25+$0xFFFFFFB0] =	vst v2  }
0x8e: {  	s14 =	simm.s32 $0x80;
	v14 =	vor.u32 s31, v1;
	s20 =	sand.u32 $0x380, s26;
	s1 =	sor.u32 $0x5000, s1;
	v9 =	vld.idx.msk [tilespmem:v9+s18+$0x0], $0xffff;
	[tilespmem:s25+$0xFFFFFFD0] =	vst v3  }
0x8f: {  	s2 =	sand.u32 $0x380, s14;
	s14 =	sor.u32 s20, s1;
	[tilespmem:s25+$0xFFFFFFF0] =	vst v5;
	v15 =	vld.idx.msk [tilespmem:v10+s18+$0x0], $0xffff;
	v10 =	vor.u32 s11, v1  }
0x90: {  	s30 =	simm.s32 $0xA0;
	v16 =	vor.u32 s12, v1;
	s2 =	sor.u32 s2, s1;
	[tilespmem:s14+$0x60] =	vst v6;
	v2 =	vld.idx.msk [tilespmem:v11+s18+$0x0], $0xffff  }
0x91: {  	s31 =	simm.s32 $0xC0;
	s9 =	sand.u32 $0x380, s30;
	s13 =	simm.s32 $0x9;
	[tilespmem:s2+$0x0] =	vst v7;
	v7 =	vor.u32 s7, v1;
	v3 =	vld.idx.msk [tilespmem:v12+s18+$0x0], $0xffff  }
0x92: {  	s12 =	sor.u32 s9, s1;
	s5 =	sand.u32 $0x380, s31;
	[tilespmem:s25+$0xFFFFFF90] =	vst v4;
	s7 =	simm.s32 $0xA;
	v4 =	vld.idx.msk [tilespmem:v13+s18+$0x0], $0xffff;
	v12 =	vor.u32 s13, v0  }
0x93: {  	s28 =	simm.s32 $0x8;
	s1 =	sor.u32 s5, s1;
	[tilespmem:s12+$0x20] =	vst v8;
	v5 =	vld.idx.msk [tilespmem:v14+s18+$0x0], $0xffff;
	v11 =	vor.u32 s7, v0  }
0x94: {  	s10 =	simm.s32 $0xB;
	[tilespmem:s1+$0x40] =	vst v9;
	v6 =	vld.idx.msk [tilespmem:v10+s18+$0x0], $0xffff;
	v10 =	vor.u32 s28, v0  }
0x95: {  	s29 =	simm.s32 $0x10;
	s9 =	simm.s32 $0xF;
	v8 =	vor.u32 s10, v0;
	v9 =	vld.idx.msk [tilespmem:v16+s18+$0x0], $0xffff;
	[tilespmem:s25+$0xFFFFFFC0] =	vst v15  }
.LBB2_8:
0x96: {  	p0 =	slt.u32 s29, $0x78;
	s5 =	sadd.s32 $0x4, s28;
	v13 =	vor.u32 s9, v0;
	v7 =	vld.idx.msk [tilespmem:v7+s18+$0x0], $0xffff;
	[tilespmem:s25+$0xFFFFFFE0] =	vst v2  }
0x97: {  	s11 =	sadd.s32 $0x5, s28;
	v2 =	vld.idx.msk [tilespmem:v12+s18+$0x0], $0xffff;
	v12 =	vor.u32 s5, v0;
	[tilespmem:s25+$0x0] =	vst v3  }
0x98: {  	s20 =	sadd.s32 $0x6, s28;
	v3 =	vld.idx.msk [tilespmem:v11+s18+$0x0], $0xffff;
	v11 =	vor.u32 s11, v0;
	[tilespmem:s14+$0x70] =	vst v4  }
0x99: {  	v4 =	vld.idx.msk [tilespmem:v10+s18+$0x0], $0xffff;
	v10 =	vor.u32 s20, v0;
	[tilespmem:s2+$0x10] =	vst v5  }
0x9a: {  	v5 =	vor.u32 s13, v1;
	v8 =	vld.idx.msk [tilespmem:v8+s18+$0x0], $0xffff;
	[tilespmem:s12+$0x30] =	vst v6  }
0x9b: {  	s26 =	sadd.s32 $0x100, s26;
	v6 =	vor.u32 s7, v1;
	v13 =	vld.idx.msk [tilespmem:v13+s18+$0x0], $0xffff;
	[tilespmem:s1+$0x50] =	vst v9  }
0x9c: {  	v16 =	vor.u32 s5, v1;
	s5 =	sadd.s32 $0xFFFFFFE0, s26;
	v9 =	vor.u32 s10, v1;
	v14 =	vld.idx.msk [tilespmem:v12+s18+$0x0], $0xffff;
	[tilespmem:s25+$0xFFFFFFA0] =	vst v7;
	s25 =	sadd.s32 $0x100, s25  }
0x9d: {  	s2 =	sadd.s32 $0xFFFFFFA0, s26;
	s7 =	sadd.s32 $0xFFFFFFC0, s26;
	s1 =	sadd.s32 $0xFFFFFF20, s26;
	[tilespmem:s25+$0xFFFFFFB0] =	vst v2;
	v15 =	vld.idx.msk [tilespmem:v11+s18+$0x0], $0xffff;
	v11 =	vor.u32 s9, v1  }
0x9e: {  	s5 =	sand.u32 $0x380, s5;
	s2 =	sand.u32 $0x380, s2;
	s1 =	sand.u32 $0xC00, s1;
	[tilespmem:s25+$0xFFFFFFD0] =	vst v3;
	v17 =	vld.idx.msk [tilespmem:v10+s18+$0x0], $0xffff  }
0x9f: {  	v19 =	vor.u32 s11, v1;
	s7 =	sand.u32 $0x380, s7;
	s1 =	sor.u32 $0x5000, s1;
	s9 =	sand.u32 $0x380, s26;
	[tilespmem:s25+$0xFFFFFF90] =	vst v4;
	v18 =	vld.idx.msk [tilespmem:v5+s18+$0x0], $0xffff  }
0xa0: {  	v20 =	vor.u32 s20, v1;
	s13 =	sadd.s32 $0x1, s29;
	s2 =	sor.u32 s2, s1;
	s14 =	sor.u32 s9, s1;
	v2 =	vld.idx.msk [tilespmem:v6+s18+$0x0], $0xffff;
	[tilespmem:s25+$0xFFFFFFF0] =	vst v8  }
.Ltmp7:
0xa1: {  	v7 =	vor.u32 s28, v1;
	s12 =	sor.u32 s7, s1;
	s1 =	sor.u32 s5, s1;
	v3 =	vld.idx.msk [tilespmem:v9+s18+$0x0], $0xffff;
	[tilespmem:s14+$0x60] =	vst v13;
	(pc) =	sbr.rel @p0 .LBB2_8-.Ltmp7, $4  }
0xa2: {  	v12 =	vor.u32 s13, v0;
	s28 =	smov.u32 s29;
	s7 =	sadd.s32 $0x2, s29;
	[tilespmem:s2+$0x0] =	vst v14;
	v4 =	vld.idx.msk [tilespmem:v11+s18+$0x0], $0xffff  }
0xa3: {  	v11 =	vor.u32 s7, v0;
	v5 =	vld.idx.msk [tilespmem:v16+s18+$0x0], $0xffff;
	[tilespmem:s12+$0x20] =	vst v15  }
0xa4: {  	s10 =	sadd.s32 $0x3, s29;
	v10 =	vor.u32 s29, v0;
	v6 =	vld.idx.msk [tilespmem:v19+s18+$0x0], $0xffff;
	[tilespmem:s1+$0x40] =	vst v17  }
0xa5: {  	s9 =	sadd.s32 $0x7, s28;
	s29 =	sadd.s32 $0x8, s29;
	v8 =	vor.u32 s10, v0;
	[tilespmem:s25+$0xFFFFFFC0] =	vst v18;
	v9 =	vld.idx.msk [tilespmem:v20+s18+$0x0], $0xffff  }
0xa6: {  	_ =	sdelay $0x2  }
0xa7: {  	[tilespmem:s25+$0xFFFFFFE0] =	vst v2  }
0xa8: {  	s5 =	sadd.s32 $0x4, s28;
	v2 =	vor.u32 s9, v0;
	v7 =	vld.idx.msk [tilespmem:v7+s18+$0x0], $0xffff;
	[tilespmem:s25+$0x0] =	vst v3  }
0xa9: {  	v3 =	vld.idx.msk [tilespmem:v12+s18+$0x0], $0xffff;
	s11 =	sadd.s32 $0x5, s28;
	v48 =	vor.u32 s5, v0;
	[tilespmem:s14+$0x70] =	vst v4  }
0xaa: {  	v49 =	vld.idx.msk [tilespmem:v11+s18+$0x0], $0xffff;
	s31 =	sadd.s32 $0x6, s28;
	v50 =	vor.u32 s11, v0;
	[tilespmem:s2+$0x10] =	vst v5  }
0xab: {  	v51 =	vld.idx.msk [tilespmem:v10+s18+$0x0], $0xffff;
	v52 =	vor.u32 s31, v0;
	[tilespmem:s12+$0x30] =	vst v6  }
0xac: {  	v53 =	vor.u32 s13, v1;
	v8 =	vld.idx.msk [tilespmem:v8+s18+$0x0], $0xffff;
	[tilespmem:s1+$0x50] =	vst v9  }
0xad: {  	v54 =	vor.u32 s7, v1;
	s13 =	sadd.s32 $0x100, s25;
	s12 =	sadd.s32 $0x100, s26;
	v2 =	vld.idx.msk [tilespmem:v2+s18+$0x0], $0xffff;
	[tilespmem:s25+$0xFFFFFFA0] =	vst v7  }
0xae: {  	v55 =	vor.u32 s10, v1;
	s20 =	sadd.s32 $0xFFFFFF20, s12;
	[tilespmem:s13+$0xFFFFFFB0] =	vst v3;
	v12 =	vld.idx.msk [tilespmem:v48+s18+$0x0], $0xffff  }
0xaf: {  	v56 =	vor.u32 s9, v1;
	s7 =	sand.u32 $0xC00, s20;
	[tilespmem:s13+$0xFFFFFFD0] =	vst v49;
	v3 =	vld.idx.msk [tilespmem:v50+s18+$0x0], $0xffff  }
0xb0: {  	v57 =	vor.u32 s5, v1;
	s29 =	sand.u32 $0x380, s12;
	s25 =	sadd.s32 $0xFFFFFFA0, s12;
	[tilespmem:s13+$0xFFFFFF90] =	vst v51;
	v10 =	vld.idx.msk [tilespmem:v52+s18+$0x0], $0xffff;
	s26 =	sor.u32 $0x5000, s7  }
0xb1: {  	v59 =	vor.u32 s11, v1;
	s30 =	sadd.s32 $0xFFFFFFC0, s12;
	[tilespmem:s13+$0xFFFFFFF0] =	vst v8;
	s9 =	sand.u32 $0x380, s25;
	v58 =	vld.idx.msk [tilespmem:v53+s18+$0x0], $0xffff;
	s7 =	sor.u32 s29, s26  }
0xb2: {  	v61 =	vor.u32 s31, v1;
	s1 =	sadd.s32 $0xFFFFFFE0, s12;
	s10 =	sand.u32 $0x380, s30;
	v60 =	vld.idx.msk [tilespmem:v54+s18+$0x0], $0xffff;
	s9 =	sor.u32 s9, s26;
	[tilespmem:s7+$0x60] =	vst v2  }
0xb3: {  	s1 =	sand.u32 $0x380, s1;
	v7 =	vld.idx.msk [tilespmem:v55+s18+$0x0], $0xffff;
	s10 =	sor.u32 s10, s26;
	v2 =	vor.u32 s28, v1;
	[tilespmem:s9+$0x0] =	vst v12  }
0xb4: {  	s1 =	sor.u32 s1, s26;
	v11 =	vld.idx.msk [tilespmem:v56+s18+$0x0], $0xffff;
	[tilespmem:s10+$0x20] =	vst v3  }
0xb5: {  	[tilespmem:s1+$0x40] =	vst v10;
	v3 =	vld.idx.msk [tilespmem:v57+s18+$0x0], $0xffff  }
0xb6: {  	[tilespmem:s13+$0xFFFFFFC0] =	vst v58;
	v62 =	vld.idx.msk [tilespmem:v59+s18+$0x0], $0xffff  }
0xb7: {  	[tilespmem:s13+$0xFFFFFFE0] =	vst v60;
	v63 =	vld.idx.msk [tilespmem:v61+s18+$0x0], $0xffff  }
0xb8: {  	[tilespmem:s13+$0x0] =	vst v7;
	v2 =	vld.idx.msk [tilespmem:v2+s18+$0x0], $0xffff  }
0xb9: {  	[tilespmem:s7+$0x70] =	vst v11  }
.Ltmp8:
0xba: {  	[tilespmem:s9+$0x10] =	vst v3;
	(pc) =	sbr.rel .LBB2_10-.Ltmp8, $4  }
0xbb: {  	[tilespmem:s10+$0x30] =	vst v62  }
0xbc: {  	s31 =	sshll.u32 s24, $0x9;
	[tilespmem:s1+$0x50] =	vst v63  }
0xbd: {  	s1 =	sadd.s32 s6, s31;
	[tilespmem:s13+$0xFFFFFFA0] =	vst v2  }
0xbe: {  	[hbm4b:s1+s3] =	stream.linear.scatter [tilespmem:s19], [sflag:$0x4], $0x1000, $0x38;
	[tilespmem:$0x6000] =	vst v63  }
.LBB2_12:
0xbf: {  	_ =	sfence.sel $0x180000  }
0xc0: {  	[bflag:$0x0] =	sbarrier.arrive $0xFFFF  }
0xc1: {  	_ =	strace $0x90000047  }
0xc2: {  	s0 =	stileid.u32;
	[bflag:$0x2] =	sbarrier.arrive $0xFFFF  }
0xc3: {  	p0 =	sne.s32 s0, $0x0;
	s0 =	rddreg [dreg:$0x2]  }
0xc4: {  	s0 =	sadd.s32 @!p0 $0x100000, s0  }
0xc5: {  	[sflag:s0] =	ssyncadd.tile.s32 @!p0 $0x1;
	_ =	shalt  }
.Lfunc_end2:
_tile_overlayer_lowered:
.L_overlay_start_2:
0xc6: {  	(tag) =	ssettag $0x2  }
0xc7: {  	s0 =	rddreg [dreg:$0x0];
	s2 =	stileid.u32  }
0xc8: {  	s1 =	rddreg [dreg:$0x1];
	p0 =	sne.s32 s2, $0x0  }
0xc9: {  	s3 =	rddreg [dreg:$0x2];
	[bflag:$0x3] =	sbarrier.arrive $0xFFFF;
	s2 =	simm.s32 @!p0 $0x1C05  }
0xca: {  	[timem:s3], [sflag:s2] =	dma.local @!p0 [hbm:s0], s1  }
0xcb: {  	s0 =	simm.s32 @!p0 $0x5  }
0xcc: {  	_ =	swait.ge @!p0 [sflag:s0], s1  }
0xcd: {  	s1 =	ssub.s32 @!p0 $0x0, s1;
	[sflag:s0] =	ssyncset.done @!p0 $0x0  }
0xce: {  	[sflag:s0] =	ssyncadd.s32 @!p0 s1  }
0xcf: {  	[bflag:$0x3] =	sbarrier.arrive $0xFFFF  }
0xd0: {  	_ =	shalt  }

// kernel: kernel.7.cloned.1.call-start
scs
__scs_entry_jumppad:
0x0: {  	(pc) =	sbr.rel $0x88, $3  }
0x1: {  	(tag) =	ssettag $0x0;
	lr =	simm.s32 $0x1  }
0x2: {  	[smem:$0x3F9F] =	sst lr;
	_ =	strace $0xD0000000  }
0x3: {  	_ = 	snop  }
0x4: {  	_ = 	snop  }
0x5: {  	_ = 	snop  }
0x6: {  	_ = 	snop  }
0x7: {  	_ = 	snop  }
__scs_overlays_trampoline_lowered:
0x8: {  	[smem:$0x3FAE] =	sst s0  }
0x9: {  	[smem:$0x3FAF] =	sst s1  }
0xa: {  	[smem:$0x3FB0] =	sst s2  }
0xb: {  	[smem:$0x3FB1] =	sst s3  }
0xc: {  	[smem:$0x3FB2] =	sst s4  }
0xd: {  	[smem:$0x3FB3] =	sst s5  }
0xe: {  	[smem:$0x3FB4] =	sst s6  }
0xf: {  	[smem:$0x3FB5] =	sst s7  }
0x10: {  	[smem:$0x3FB6] =	sst s8  }
0x11: {  	[smem:$0x3FB7] =	sst s9;
	s0 =	simm.s32 @!p0 $0x0  }
0x12: {  	s1 =	sld [smem:$0x3F9D];
	s0 =	simm.s32 @p0 $0x1  }
0x13: {  	[smem:$0x3FB8] =	sst s0;
	s0 =	simm.s32 @!p1 $0x0  }
0x14: {  	s2 =	sld [smem:$0x3F9C];
	s0 =	simm.s32 @p1 $0x1  }
0x15: {  	[smem:$0x3FB9] =	sst s0;
	s0 =	simm.s32 @!p2 $0x0  }
0x16: {  	s3 =	sld [smem:$0x3FDB];
	s0 =	simm.s32 @p2 $0x1  }
0x17: {  	s4 =	simm.s32 $0x1BF5;
	[smem:$0x3FBB] =	sst s0  }
0x18: {  	s0 =	sld [smem:$0x3F9E];
	_ =	swait.ge [sflag:s4], $0x0  }
0x19: {  	s7 =	sld [smem:$0x3F9F]  }
0x1a: {  	s8 =	sadd.s32 $0xFFFFE003, lr  }
0x1b: {  	s9 =	sadd.s32 $0xFFFFFEF7, lr;
	s5 =	simm.s32 $0xFFFFFFFF;
	p2 =	slt.u32 s8, $0xFFFFF086  }
0x1c: {  	p1 =	slt.u32 s9, $0xF7A;
	s5 =	simm.s32 @!p2 $0x0  }
0x1d: {  	s5 =	simm.s32 @p1 $0x1;
	p0 =	seq.s32 s7, s2  }
0x1e: {  	s7 =	smul.u32 @!p0 $0xF7A, s2;
	p2 =	seq.s32 @!p0 s5, $0x0  }
0x1f: {  	s9 =	smul.u32 $0xF7A, s1;
	s8 =	simm.s32 @!p0 $0x1BF5;
	p2 =	por !p2, p0  }
0x20: {  	[sflag:s8] =	ssyncset.s32 @!p0 $0xFFFFF086;
	s6 =	sadd.s32 @!p0 s3, s7;
	s7 =	simm.s32 @!p0 $0x108  }
0x21: {  	s3 =	sadd.s32 s3, s9;
	s6 =	sadd.s32 @!p0 $0x88, s6;
	s7 =	simm.s32 @p2 $0x1082  }
0x22: {  	[simem:s7], [sflag:s8] =	dma.local @!p0 [hbm:s6], $0xF7A  }
0x23: {  	s9 =	sor.u32 $0xD0000000, s2;
	s6 =	simm.s32 $0x108;
	_ =	swait.ge @!p0 [sflag:s8], $0x0  }
0x24: {  	s3 =	sadd.s32 $0x88, s3;
	s6 =	simm.s32 @!p1 $0x1082;
	[sflag:s4] =	ssyncset.s32 $0xFFFFF086  }
0x25: {  	[simem:s6], [sflag:s4] =	dma.local [hbm:s3], $0xF7A  }
0x26: {  	[smem:$0x3F9F] =	sst s1;
	(tag) =	ssettag s2;
	_ =	strace s9  }
0x27: {  	s1 =	sld [smem:$0x3FAF]  }
0x28: {  	s2 =	sld [smem:$0x3FB0]  }
0x29: {  	s4 =	sld [smem:$0x3FB2]  }
0x2a: {  	p0 =	seq.s32 s5, $0x0;
	s5 =	sld [smem:$0x3FB3]  }
0x2b: {  	s6 =	sld [smem:$0x3FB4]  }
0x2c: {  	s7 =	sld [smem:$0x3FB5]  }
0x2d: {  	s3 =	simm.s32 $0x108;
	s8 =	sld [smem:$0x3FB6]  }
0x2e: {  	s3 =	simm.s32 @!p0 $0x1082;
	s9 =	sld [smem:$0x3FB7]  }
0x2f: {  	lr =	sadd.s32 s0, s3;
	s0 =	sld [smem:$0x3FAE]  }
0x30: {  	s3 =	sld [smem:$0x3FB1]  }
0x31: {  	[smem:$0x3FBA] =	sst s10  }
0x32: {  	s10 =	sld [smem:$0x3FB8];
	_ =	sdelay $0x3  }
0x33: {  	p0 =	seq.s32 s10, $0x1;
	s10 =	sld [smem:$0x3FBA];
	_ =	sdelay $0x3  }
0x34: {  	[smem:$0x3FBA] =	sst s10  }
0x35: {  	s10 =	sld [smem:$0x3FB9];
	_ =	sdelay $0x3  }
0x36: {  	p1 =	seq.s32 s10, $0x1;
	s10 =	sld [smem:$0x3FBA];
	_ =	sdelay $0x3  }
0x37: {  	[smem:$0x3FBA] =	sst s10  }
0x38: {  	s10 =	sld [smem:$0x3FBB]  }
0x39: {  	_ = 	snop;
	(pc) =	sbr.ind lr, $3  }
0x3a: {  	_ = 	snop  }
0x3b: {  	_ = 	snop  }
0x3c: {  	p2 =	seq.s32 s10, $0x1;
	s10 =	sld [smem:$0x3FBA]  }
0x3d: {  	_ =	shalt  }
0x3e: {  	_ =	shalt  }
0x3f: {  	_ =	shalt  }
0x40: {  	_ =	shalt  }
0x41: {  	_ =	shalt  }
0x42: {  	_ =	shalt  }
0x43: {  	_ =	shalt  }
0x44: {  	_ =	shalt  }
0x45: {  	_ =	shalt  }
0x46: {  	_ =	shalt  }
0x47: {  	_ =	shalt  }
0x48: {  	_ =	shalt  }
0x49: {  	_ =	shalt  }
0x4a: {  	_ =	shalt  }
0x4b: {  	_ =	shalt  }
0x4c: {  	_ =	shalt  }
0x4d: {  	_ =	shalt  }
0x4e: {  	_ =	shalt  }
0x4f: {  	_ =	shalt  }
0x50: {  	_ =	shalt  }
0x51: {  	_ =	shalt  }
0x52: {  	_ =	shalt  }
0x53: {  	_ =	shalt  }
0x54: {  	_ =	shalt  }
0x55: {  	_ =	shalt  }
0x56: {  	_ =	shalt  }
0x57: {  	_ =	shalt  }
0x58: {  	_ =	shalt  }
0x59: {  	_ =	shalt  }
0x5a: {  	_ =	shalt  }
0x5b: {  	_ =	shalt  }
0x5c: {  	_ =	shalt  }
0x5d: {  	_ =	shalt  }
0x5e: {  	_ =	shalt  }
0x5f: {  	_ =	shalt  }
0x60: {  	_ =	shalt  }
0x61: {  	_ =	shalt  }
0x62: {  	_ =	shalt  }
0x63: {  	_ =	shalt  }
0x64: {  	_ =	shalt  }
0x65: {  	_ =	shalt  }
0x66: {  	_ =	shalt  }
0x67: {  	_ =	shalt  }
0x68: {  	_ =	shalt  }
0x69: {  	_ =	shalt  }
0x6a: {  	_ =	shalt  }
0x6b: {  	_ =	shalt  }
0x6c: {  	_ =	shalt  }
0x6d: {  	_ =	shalt  }
0x6e: {  	_ =	shalt  }
0x6f: {  	_ =	shalt  }
0x70: {  	_ =	shalt  }
0x71: {  	_ =	shalt  }
0x72: {  	_ =	shalt  }
0x73: {  	_ =	shalt  }
0x74: {  	_ =	shalt  }
0x75: {  	_ =	shalt  }
0x76: {  	_ =	shalt  }
0x77: {  	_ =	shalt  }
0x78: {  	_ =	shalt  }
0x79: {  	_ =	shalt  }
0x7a: {  	_ =	shalt  }
0x7b: {  	_ =	shalt  }
0x7c: {  	_ =	shalt  }
0x7d: {  	_ =	shalt  }
0x7e: {  	_ =	shalt  }
0x7f: {  	_ =	shalt  }
0x80: {  	_ =	shalt  }
0x81: {  	_ =	shalt  }
0x82: {  	_ =	shalt  }
0x83: {  	_ =	shalt  }
0x84: {  	_ =	shalt  }
0x85: {  	_ =	shalt  }
0x86: {  	_ =	shalt  }
0x87: {  	_ =	shalt  }
.Lfunc_end0:
.L_simem_size_0:
called_computation.1_lowered:
.L_overlay_start_0:
0x88: {  	s2 =	sld [smem:$0x3FD9]  }
0x89: {  	s3 =	sld [smem:$0x3FFE];
	_ =	sdelay $0x1  }
0x8a: {  	s1 =	srdreg.scid  }
0x8b: {  	s0 =	sand.u32 $0x1, s1  }
0x8c: {  	s17 =	sshll.u32 s0, $0xA;
	s2 =	sadd.s32 s3, s2  }
0x8d: {  	s2 =	sadd.s32 s2, s17  }
0x8e: {  	[smem:$0x3FC6] =	sst s2  }
0x8f: {  	_ = 	snop  }
0x90: {  	s2 =	sld [smem:$0x3FD0];
	(tm) =	ssettm $0x1  }
0x91: {  	s18 =	sld [smem:$0x3FFB];
	_ =	sdelay $0x3  }
0x92: {  	_ =	strace s18  }
0x93: {  	s3 =	sld [smem:$0x3FFC];
	_ =	sdelay $0x3  }
0x94: {  	_ =	strace s3  }
0x95: {  	s3 =	sld [smem:$0x3FFD];
	_ =	sdelay $0x3  }
0x96: {  	_ =	strace s3  }
0x97: {  	_ =	strace $0x8FFFFFFF  }
0x98: {  	s19 =	sld [smem:$0x3FDB];
	_ =	sdelay $0x1  }
0x99: {  	s4 =	simm.s32 $_scs_section_size  }
0x9a: {  	s5 =	simm.s32 $_size__tile_overlayer_lowered;
	s6 =	simm.s32 $_tile_overlayer_lowered  }
0x9b: {  	s22 =	simm.s32 $0x1BFF;
	s21 =	sshll.u32 s6, $0x1;
	s3 =	sadd.s32 s4, s19  }
0x9c: {  	s7 =	simm.s32 $0x0;
	s20 =	sshll.u32 s5, $0x1;
	s5 =	sadd.s32 s21, s3  }
0x9d: {  	[timem:s7], [sflag:s22] =	dma.local [hbm:s5], s20  }
0x9e: {  	_ =	swait.ge [sflag:s22], s20  }
0x9f: {  	s4 =	ssub.s32 $0x0, s20;
	[sflag:s22] =	ssyncset.done $0x0  }
0xa0: {  	[sflag:s22] =	ssyncadd.s32 s4;
	_ =	sdelay $0x1  }
0xa1: {  	s23 =	simm.s32 $0x1B8B  }
0xa2: {  	_ =	swait.ge [sflag:s23], $0x1  }
0xa3: {  	[sflag:s23] =	ssyncset.done $0x0  }
0xa4: {  	s25 =	simm.s32 $0x1B8E;
	s24 =	sld [smem:$0x3FFE];
	[sflag:s23] =	ssyncadd.s32 $0xFFFFFFFF  }
0xa5: {  	s26 =	simm.s32 $execute0_lowered;
	[smem:$0x3FD2] =	sst s25  }
0xa6: {  	s5 =	sshll.u32 s26, $0x1;
	_ =	strace $0x80000049;
	[dreg:$0x1] =	wrdreg $0xFFFFFFFF  }
0xa7: {  	s28 =	simm.s32 $_size_execute0_lowered;
	s3 =	sadd.s32 s3, s5;
	[dreg:$0x0] =	wrdreg $0x0  }
0xa8: {  	s5 =	sshll.u32 s28, $0x1;
	[dreg:$0x2] =	wrdreg s3  }
0xa9: {  	[dreg:$0x3] =	wrdreg s5  }
0xaa: {  	[dreg:$0x4] =	wrdreg $0xC0  }
0xab: {  	_ =	task [dreg:s7], $0x5FFFF  }
0xac: {  	[dreg:$0x1] =	wrdreg $0xFFFFFFFF  }
0xad: {  	[dreg:$0x0] =	wrdreg $0x60  }
0xae: {  	[dreg:$0x2] =	wrdreg s24  }
0xaf: {  	[dreg:$0x3] =	wrdreg s2  }
0xb0: {  	[dreg:$0x4] =	wrdreg $0x9  }
0xb1: {  	_ =	task.clear_ibuf [dreg:s7], $0x5FFFF;
	_ =	strace $0x90000049  }
0xb2: {  	s29 =	simm.s32 $0x9;
	_ =	strace $0x8000004B  }
0xb3: {  	_ =	swait.ge [sflag:s29], $0x1  }
0xb4: {  	[sflag:s29] =	ssyncadd.s32 $0xFFFFFFFF  }
0xb5: {  	_ =	strace $0x9000004B  }
0xb6: {  	_ =	sfence  }
0xb7: {  	s30 =	sld [smem:$0x0];
	_ =	sdelay $0x2  }
0xb8: {  	s31 =	sshll.u32 s1, $0xD;
	s1 =	sshrl.u32 s1, $0x2  }
0xb9: {  	s3 =	sand.u32 $0x4000, s31;
	s1 =	sadd.s32 s1, s30  }
0xba: {  	s0 =	sor.u32 s3, s0;
	s1 =	sshll.u32 s1, $0x11  }
0xbb: {  	s0 =	sor.u32 s1, s0  }
0xbc: {  	s0 =	sadd.s32 $0x8F2B, s0  }
0xbd: {  	[sflag:s0] =	ssyncadd.remote.s32 $0x1  }
0xbe: {  	_ =	sfence.sel $0xFFFF  }
0xbf: {  	[dreg:$0x0] =	wrdreg $0xFFFFFFFF;
	(pc) =	sbr.abs _section_cstart, $3  }
0xc0: {  	[dreg:$0x1] =	wrdreg $0xFFFFFFFF  }
0xc1: {  	_ =	task.clear_ibuf [dreg:s7], $0x2FFFF;
	_ =	strace $0x9FFFFFFF  }
0xc2: {  	(tm) =	ssettm $0x7FFFFFFF  }
0xc3: {  	_ =	shalt  }
tec
execute0_lowered:
.L_overlay_start_1:
0x0: {  	(tag) =	ssettag $0x1  }
0x1: {  	s0 =	rddreg [dreg:$0x0]  }
0x2: {  	s2 =	rddreg [dreg:$0x1]  }
0x3: {  	s1 =	srdreg.scid;
	s3 =	stileid.u32;
	s4 =	simm.s32 $0x0  }
0x4: {  	s8 =	simm.s32 $0x80;
	s11 =	simm.s32 $0xD00;
	s12 =	simm.s32 $0x1D00  }
0x5: {  	s13 =	simm.s32 $0x2;
	s14 =	simm.s32 $0x400;
	s15 =	simm.s32 $0x8000  }
0x6: {  	s16 =	simm.s32 $0x2D00;
	s1 =	sand.u32 $0x1, s1;
	s3 =	sshll.u32 s3, $0x1  }
0x7: {  	v0 =	vlaneseq.u32;
	s17 =	simm.s32 $0x3;
	s18 =	simm.s32 $0x5;
	s3 =	sor.u32 s1, s3  }
0x8: {  	[smem:$0x7FF] =	sst s4;
	v0 =	vmul.u32 $0x20, v0;
	s1 =	ssub.s32 $0x2, s1;
	s5 =	sshll.u32 s3, $0x4  }
0x9: {  	s4 =	sadd.s32 $0xA00, s0;
	s30 =	sshrl.u32 s1, $0x1;
	s0 =	sadd.s32 s5, s0  }
0xa: {  	s19 =	simm.s32 $0x3D00;
	v1 =	vor.u32 $0x200, v0;
	s1 =	ssub.s32 s1, s30;
	s0 =	sadd.s32 $0x3D1400, s0  }
0xb: {  	_ =	strace $0x8000004A;
	v2 =	vor.u32 $0x400, v0;
	v3 =	vor.u32 $0x600, v0;
	v4 =	vor.u32 $0x800, v0;
	s31 =	smax.u32 s1, $0x1;
	[dreg:$0x3] =	wrdreg s0  }
0xc: {  	s6 =	sshll.u32 s3, $0xA;
	v5 =	vor.u32 $0xA00, v0;
	v6 =	vor.u32 $0xC00, v0;
	v7 =	vor.u32 $0xE00, v0;
	s1 =	simm.s32 $0x0;
	[dreg:$0x4] =	wrdreg s31  }
.LBB2_1:
0xd: {  	[dreg:$0x5] =	wrdreg s1;
	s0 =	simm.s32 $0x0  }
0xe: {  	s30 =	rddreg [dreg:$0x3];
	s3 =	simm.s32 $0x1000;
	s31 =	simm.s32 $0x1  }
0xf: {  	[tilespmem:s0], [sflag:$0x1] =	stream.strided.gather [hbm4b:s30+s8], $0xD00, s3, s8, $0x38;
	[tilespmem:$0x4D00] =	vst v63  }
0x10: {  	_ =	swait.ge [sflag:s31], $0xD00  }
0x11: {  	[sflag:s31] =	ssyncset.done $0x0  }
0x12: {  	s22 =	simm.s32 $0x0;
	[sflag:s31] =	ssyncadd.s32 $0xFFFFF300  }
0x13: {  	[tilespmem:s11], [sflag:$0x2] =	stream.indirect.gather [hbm4b:s4+s8], $0x20, s0, s8, $0xb8;
	[tilespmem:$0x4D00] =	vst v63  }
.LBB2_2:
0x14: {  	s23 =	sshllo.u32 s22, $0x1;
	s0 =	simm.s32 $0x0  }
0x15: {  	s10 =	simm.s32 $0x1;
	s1 =	sshll.u32 s23, $0x7;
	v8 =	vmov s0  }
0x16: {  	v9 =	vmov s10;
	s1 =	sand.u32 $0x3FFFFF80, s1;
	v8 =	vand.u32 $0x1C, v8  }
0x17: {  	[tilespmem:s12], [sflag:$0x3] =	stream.indirect.gather [hbm4b:s4+s8], $0x20, s1, s8, $0xb8;
	v15 =	vbroadcast v8, $0x0;
	v8 =	vand.u32 $0x1D, v9;
	[tilespmem:$0x4D00] =	vst v63  }
0x18: {  	_ =	swait.ge [sflag:s13], $0x1000;
	v17 =	vbroadcast v8, $0x0  }
0x19: {  	p0 =	seq.s32 s22, $0x0;
	[sflag:s13] =	ssyncset.done $0x0;
	v8 =	vor.u32 v0, v15  }
0x1a: {  	s0 =	simm.s32 @!p0 $0x4;
	[sflag:s13] =	ssyncadd.s32 $0xFFFFF000;
	v9 =	vor.u32 v0, v17  }
0x1b: {  	_ =	swait.ge @!p0 [sflag:s0], $0x1000  }
0x1c: {  	[sflag:s0] =	ssyncset.done @!p0 $0x0  }
0x1d: {  	[sflag:s0] =	ssyncadd.s32 @!p0 $0xFFFFF000  }
0x1e: {  	v8 =	vld.idx.msk [tilespmem:v8+s11+$0x0], $0xffff  }
0x1f: {  	s20 =	simm.s32 $0x2;
	v10 =	vor.u32 v1, v15;
	v9 =	vld.idx.msk [tilespmem:v9+s11+$0x0], $0xffff  }
0x20: {  	s21 =	simm.s32 $0x0;
	v11 =	vmov s20;
	v12 =	vor.u32 v1, v17  }
0x21: {  	s24 =	simm.s32 $0x80;
	v11 =	vand.u32 $0x1E, v11;
	s0 =	sand.u32 $0xC00, s21  }
0x22: {  	s25 =	simm.s32 $0x2D40;
	v16 =	vbroadcast v11, $0x0;
	s1 =	sand.u32 $0x280, s24;
	s0 =	sadd.s32 $0x2D00, s0  }
0x23: {  	s26 =	simm.s32 $0x3;
	s9 =	sor.u32 s1, s0;
	[tilespmem:s25+$0xFFFFFFC0] =	vst v8  }
0x24: {  	v8 =	vor.u32 v0, v16;
	[tilespmem:s9+$0x0] =	vst v9;
	v9 =	vld.idx.msk [tilespmem:v10+s11+$0x0], $0xffff;
	v10 =	vmov s26  }
0x25: {  	v11 =	vld.idx.msk [tilespmem:v12+s11+$0x0], $0xffff;
	v12 =	vor.u32 v2, v15;
	v10 =	vand.u32 $0x1F, v10  }
0x26: {  	v13 =	vor.u32 v2, v17;
	v18 =	vbroadcast v10, $0x0;
	_ =	sdelay $0x1  }
0x27: {  	s3 =	simm.s32 $0x4;
	v14 =	vor.u32 v0, v18  }
0x28: {  	v19 =	vld.idx.msk [tilespmem:v8+s11+$0x0], $0xffff;
	v8 =	vmov s3;
	[tilespmem:s25+$0xFFFFFFD0] =	vst v9  }
0x29: {  	s5 =	simm.s32 $0x5;
	v20 =	vor.u32 v1, v16;
	v8 =	vand.u32 $0x1C, v8;
	[tilespmem:s9+$0x10] =	vst v11;
	v11 =	vld.idx.msk [tilespmem:v12+s11+$0x0], $0xffff  }
0x2a: {  	s7 =	simm.s32 $0x6;
	s3 =	simm.s32 $0x100;
	v9 =	vmov s5;
	v8 =	vbroadcast v8, $0x0;
	v12 =	vld.idx.msk [tilespmem:v13+s11+$0x0], $0xffff;
	v13 =	vor.u32 v3, v15  }
0x2b: {  	v22 =	vmov s7;
	v21 =	vor.u32 v3, v17;
	s3 =	sand.u32 $0x300, s3;
	v9 =	vand.u32 $0x1D, v9  }
0x2c: {  	s30 =	sadd.s32 s3, s0;
	v10 =	vbroadcast v9, $0x0;
	v9 =	vand.u32 $0x1E, v22;
	v22 =	vor.u32 v0, v8;
	v14 =	vld.idx.msk [tilespmem:v14+s11+$0x0], $0xffff  }
0x2d: {  	v9 =	vbroadcast v9, $0x0;
	[tilespmem:s30+$0x0] =	vst v19;
	v19 =	vor.u32 v1, v18  }
0x2e: {  	s10 =	simm.s32 $0x180;
	v23 =	vor.u32 v0, v10;
	v20 =	vld.idx.msk [tilespmem:v20+s11+$0x0], $0xffff;
	[tilespmem:s25+$0xFFFFFFE0] =	vst v11  }
0x2f: {  	s1 =	sand.u32 $0x380, s10;
	v11 =	vor.u32 v0, v9;
	[tilespmem:s9+$0x20] =	vst v12;
	v12 =	vld.idx.msk [tilespmem:v13+s11+$0x0], $0xffff  }
0x30: {  	s29 =	sadd.s32 s1, s0;
	v13 =	vld.idx.msk [tilespmem:v21+s11+$0x0], $0xffff;
	v21 =	vor.u32 v4, v15  }
0x31: {  	v24 =	vor.u32 v4, v17;
	v22 =	vld.idx.msk [tilespmem:v22+s11+$0x0], $0xffff;
	[tilespmem:s29+$0x0] =	vst v14  }
0x32: {  	v14 =	vor.u32 v2, v16;
	v19 =	vld.idx.msk [tilespmem:v19+s11+$0x0], $0xffff  }
0x33: {  	v25 =	vor.u32 v2, v18;
	v23 =	vld.idx.msk [tilespmem:v23+s11+$0x0], $0xffff  }
0x34: {  	v26 =	vor.u32 v1, v8;
	v11 =	vld.idx.msk [tilespmem:v11+s11+$0x0], $0xffff;
	[tilespmem:s25+$0xFFFFFFF0] =	vst v12  }
0x35: {  	s20 =	simm.s32 $0x200;
	v12 =	vor.u32 v1, v10;
	[tilespmem:s9+$0x30] =	vst v13;
	v13 =	vld.idx.msk [tilespmem:v21+s11+$0x0], $0xffff  }
0x36: {  	s21 =	simm.s32 $0x280;
	s0 =	sand.u32 $0xC00, s20;
	[tilespmem:s30+$0x10] =	vst v20;
	v21 =	vor.u32 v5, v15;
	v20 =	vld.idx.msk [tilespmem:v24+s11+$0x0], $0xffff  }
0x37: {  	s24 =	simm.s32 $0x2F40;
	s1 =	sand.u32 $0x280, s21;
	s0 =	sadd.s32 $0x2D00, s0;
	v24 =	vor.u32 v1, v9;
	v14 =	vld.idx.msk [tilespmem:v14+s11+$0x0], $0xffff;
	[tilespmem:s29+$0x10] =	vst v19  }
0x38: {  	s26 =	simm.s32 $0x300;
	s28 =	sor.u32 s1, s0;
	[tilespmem:s24+$0xFFFFFFC0] =	vst v22;
	v19 =	vor.u32 v3, v16;
	v22 =	vld.idx.msk [tilespmem:v25+s11+$0x0], $0xffff  }
0x39: {  	s5 =	sand.u32 $0x300, s26;
	[tilespmem:s28+$0x0] =	vst v23;
	v23 =	vld.idx.msk [tilespmem:v26+s11+$0x0], $0xffff;
	v25 =	vor.u32 v3, v18  }
0x3a: {  	s7 =	simm.s32 $0x7;
	s26 =	sadd.s32 s5, s0;
	v12 =	vld.idx.msk [tilespmem:v12+s11+$0x0], $0xffff;
	[tilespmem:s25+$0x0] =	vst v13;
	v13 =	vor.u32 v5, v17  }
0x3b: {  	v27 =	vor.u32 v2, v10;
	v26 =	vmov s7;
	[tilespmem:s26+$0x0] =	vst v11;
	v21 =	vld.idx.msk [tilespmem:v21+s11+$0x0], $0xffff  }
0x3c: {  	v11 =	vand.u32 $0x1F, v26;
	v24 =	vld.idx.msk [tilespmem:v24+s11+$0x0], $0xffff;
	[tilespmem:s30+$0x20] =	vst v14;
	v14 =	vor.u32 v2, v8  }
0x3d: {  	v11 =	vbroadcast v11, $0x0;
	v19 =	vld.idx.msk [tilespmem:v19+s11+$0x0], $0xffff;
	[tilespmem:s29+$0x20] =	vst v22;
	v22 =	vor.u32 v6, v15  }
0x3e: {  	v28 =	vor.u32 v4, v16;
	[tilespmem:s9+$0x40] =	vst v20;
	v20 =	vld.idx.msk [tilespmem:v25+s11+$0x0], $0xffff  }
0x3f: {  	s10 =	simm.s32 $0x8;
	v25 =	vor.u32 v0, v11;
	[tilespmem:s28+$0x10] =	vst v12;
	v26 =	vld.idx.msk [tilespmem:v13+s11+$0x0], $0xffff  }
0x40: {  	v29 =	vor.u32 v4, v18;
	s20 =	simm.s32 $0x9;
	[tilespmem:s24+$0xFFFFFFD0] =	vst v23;
	v12 =	vmov s10;
	v23 =	vld.idx.msk [tilespmem:v27+s11+$0x0], $0xffff  }
0x41: {  	v12 =	vand.u32 $0x1C, v12;
	v13 =	vmov s20;
	v27 =	vor.u32 v3, v10;
	[tilespmem:s25+$0x10] =	vst v21;
	v21 =	vld.idx.msk [tilespmem:v14+s11+$0x0], $0xffff  }
0x42: {  	v30 =	vor.u32 v6, v17;
	s21 =	simm.s32 $0xA;
	v12 =	vbroadcast v12, $0x0;
	v13 =	vand.u32 $0x1D, v13;
	[tilespmem:s30+$0x30] =	vst v19;
	v22 =	vld.idx.msk [tilespmem:v22+s11+$0x0], $0xffff  }
0x43: {  	v14 =	vmov s21;
	v13 =	vbroadcast v13, $0x0;
	v19 =	vor.u32 v3, v8;
	v28 =	vld.idx.msk [tilespmem:v28+s11+$0x0], $0xffff  }
0x44: {  	v14 =	vand.u32 $0x1E, v14;
	v25 =	vld.idx.msk [tilespmem:v25+s11+$0x0], $0xffff;
	[tilespmem:s29+$0x30] =	vst v20;
	v20 =	vor.u32 v0, v12  }
0x45: {  	v14 =	vbroadcast v14, $0x0;
	v31 =	vor.u32 v0, v13;
	[tilespmem:s28+$0x20] =	vst v23;
	v23 =	vld.idx.msk [tilespmem:v29+s11+$0x0], $0xffff  }
0x46: {  	v29 =	vor.u32 v1, v11;
	[tilespmem:s9+$0x50] =	vst v26;
	v27 =	vld.idx.msk [tilespmem:v27+s11+$0x0], $0xffff  }
0x47: {  	s3 =	simm.s32 $0x380;
	v26 =	vor.u32 v0, v14;
	[tilespmem:s24+$0xFFFFFFE0] =	vst v21;
	v21 =	vld.idx.msk [tilespmem:v30+s11+$0x0], $0xffff  }
0x48: {  	s1 =	sand.u32 $0x380, s3;
	[tilespmem:s26+$0x10] =	vst v24;
	v24 =	vor.u32 v4, v10;
	v19 =	vld.idx.msk [tilespmem:v19+s11+$0x0], $0xffff  }
0x49: {  	s31 =	sadd.s32 s1, s0;
	v17 =	vor.u32 v7, v17;
	[tilespmem:s30+$0x40] =	vst v28;
	v20 =	vld.idx.msk [tilespmem:v20+s11+$0x0], $0xffff  }
0x4a: {  	v28 =	vor.u32 v5, v16;
	[tilespmem:s31+$0x0] =	vst v25;
	v25 =	vld.idx.msk [tilespmem:v31+s11+$0x0], $0xffff  }
0x4b: {  	v30 =	vor.u32 v5, v18;
	v29 =	vld.idx.msk [tilespmem:v29+s11+$0x0], $0xffff;
	[tilespmem:s29+$0x40] =	vst v23  }
0x4c: {  	v23 =	vld.idx.msk [tilespmem:v26+s11+$0x0], $0xffff;
	v26 =	vor.u32 v4, v8;
	[tilespmem:s28+$0x30] =	vst v27  }
0x4d: {  	s5 =	simm.s32 $0x400;
	v27 =	vor.u32 v1, v12;
	[tilespmem:s9+$0x60] =	vst v21;
	v24 =	vld.idx.msk [tilespmem:v24+s11+$0x0], $0xffff  }
0x4e: {  	s0 =	simm.s32 $0x3140;
	s7 =	sand.u32 $0xC00, s5;
	s10 =	simm.s32 $0x480;
	v21 =	vor.u32 v2, v9;
	[tilespmem:s24+$0xFFFFFFF0] =	vst v19;
	v17 =	vld.idx.msk [tilespmem:v17+s11+$0x0], $0xffff  }
0x4f: {  	s3 =	sadd.s32 $0x2D00, s7;
	s5 =	sand.u32 $0x280, s10;
	v19 =	vor.u32 v1, v13;
	[tilespmem:s0+$0xFFFFFFC0] =	vst v20;
	v20 =	vld.idx.msk [tilespmem:v28+s11+$0x0], $0xffff  }
0x50: {  	v15 =	vor.u32 v7, v15;
	s1 =	sor.u32 s5, s3;
	[tilespmem:s25+$0x20] =	vst v22;
	v28 =	vld.idx.msk [tilespmem:v30+s11+$0x0], $0xffff  }
0x51: {  	[tilespmem:s1+$0x0] =	vst v25;
	v25 =	vor.u32 v2, v11;
	v26 =	vld.idx.msk [tilespmem:v26+s11+$0x0], $0xffff  }
0x52: {  	s20 =	simm.s32 $0x500;
	v22 =	vor.u32 v6, v16;
	[tilespmem:s31+$0x10] =	vst v29;
	v30 =	vld.idx.msk [tilespmem:v27+s11+$0x0], $0xffff  }
0x53: {  	s5 =	sand.u32 $0x300, s20;
	v27 =	vor.u32 v5, v8;
	v21 =	vld.idx.msk [tilespmem:v21+s11+$0x0], $0xffff;
	[tilespmem:s28+$0x40] =	vst v24  }
0x54: {  	v32 =	vor.u32 v5, v10;
	v29 =	vld.idx.msk [tilespmem:v19+s11+$0x0], $0xffff;
	[tilespmem:s9+$0x70] =	vst v17;
	s9 =	sadd.s32 s5, s3  }
0x55: {  	v24 =	vor.u32 v1, v14;
	v19 =	vld.idx.msk [tilespmem:v15+s11+$0x0], $0xffff;
	[tilespmem:s9+$0x0] =	vst v23  }
0x56: {  	v17 =	vor.u32 v3, v9;
	v25 =	vld.idx.msk [tilespmem:v25+s11+$0x0], $0xffff;
	[tilespmem:s30+$0x50] =	vst v20  }
0x57: {  	v20 =	vor.u32 v6, v18;
	v22 =	vld.idx.msk [tilespmem:v22+s11+$0x0], $0xffff;
	[tilespmem:s24+$0x0] =	vst v26  }
0x58: {  	s21 =	simm.s32 $0xB;
	[tilespmem:s29+$0x50] =	vst v28;
	v26 =	vor.u32 v3, v11;
	v23 =	vld.idx.msk [tilespmem:v27+s11+$0x0], $0xffff  }
0x59: {  	v15 =	vmov s21;
	v28 =	vor.u32 v7, v16;
	[tilespmem:s26+$0x20] =	vst v21;
	v21 =	vld.idx.msk [tilespmem:v32+s11+$0x0], $0xffff  }
0x5a: {  	v33 =	vor.u32 v2, v13;
	v15 =	vand.u32 $0x1F, v15;
	[tilespmem:s0+$0xFFFFFFD0] =	vst v30;
	v31 =	vld.idx.msk [tilespmem:v24+s11+$0x0], $0xffff  }
0x5b: {  	v15 =	vbroadcast v15, $0x0;
	[tilespmem:s1+$0x10] =	vst v29;
	v27 =	vld.idx.msk [tilespmem:v17+s11+$0x0], $0xffff  }
0x5c: {  	v16 =	vor.u32 v4, v11;
	v29 =	vor.u32 v2, v12;
	[tilespmem:s31+$0x20] =	vst v25;
	v25 =	vld.idx.msk [tilespmem:v20+s11+$0x0], $0xffff  }
0x5d: {  	v30 =	vor.u32 v0, v15;
	v20 =	vor.u32 v6, v8;
	v26 =	vld.idx.msk [tilespmem:v26+s11+$0x0], $0xffff;
	[tilespmem:s30+$0x60] =	vst v22  }
0x5e: {  	v17 =	vor.u32 v2, v14;
	v22 =	vor.u32 v7, v18;
	v24 =	vld.idx.msk [tilespmem:v28+s11+$0x0], $0xffff;
	[tilespmem:s24+$0x10] =	vst v23  }
0x5f: {  	s7 =	simm.s32 $0xC;
	s5 =	simm.s32 $0x580;
	v18 =	vor.u32 v4, v15;
	v23 =	vld.idx.msk [tilespmem:v33+s11+$0x0], $0xffff;
	v28 =	vor.u32 v4, v9;
	[tilespmem:s9+$0x10] =	vst v31  }
.LBB2_3:
0x60: {  	s20 =	sadd.s32 $0x1, s7  }
0x61: {  	v31 =	vmov s7;
	p1 =	slt.u32 s7, $0x1C;
	v29 =	vld.idx.msk [tilespmem:v29+s11+$0x0], $0xffff;
	v32 =	vor.u32 v6, v10;
	[tilespmem:s26+$0x30] =	vst v27;
	s10 =	smov.u32 s7;
	s7 =	sadd.s32 $0x4, s7  }
0x62: {  	v33 =	vor.u32 v3, v13;
	v27 =	vand.u32 $0x1C, v31;
	v31 =	vmov s20;
	s20 =	sadd.s32 $0x2, s10;
	v20 =	vld.idx.msk [tilespmem:v20+s11+$0x0], $0xffff;
	[tilespmem:s29+$0x60] =	vst v25  }
0x63: {  	v25 =	vbroadcast v27, $0x0;
	v27 =	vand.u32 $0x1D, v31;
	v31 =	vmov s20;
	[tilespmem:s31+$0x30] =	vst v26;
	v22 =	vld.idx.msk [tilespmem:v22+s11+$0x0], $0xffff  }
0x64: {  	v26 =	vbroadcast v27, $0x0;
	v27 =	vand.u32 $0x1E, v31;
	v31 =	vor.u32 v3, v12;
	v30 =	vld.idx.msk [tilespmem:v30+s11+$0x0], $0xffff;
	[tilespmem:s30+$0x70] =	vst v24;
	s30 =	smov.u32 s26;
	s26 =	smov.u32 s9  }
0x65: {  	v24 =	vor.u32 v0, v25;
	v27 =	vbroadcast v27, $0x0;
	v28 =	vld.idx.msk [tilespmem:v28+s11+$0x0], $0xffff;
	[tilespmem:s25+$0x30] =	vst v19;
	s25 =	smov.u32 s24;
	s24 =	smov.u32 s0  }
0x66: {  	v19 =	vor.u32 v0, v26;
	[tilespmem:s1+$0x20] =	vst v23;
	v23 =	vld.idx.msk [tilespmem:v16+s11+$0x0], $0xffff;
	v16 =	vmov v18  }
0x67: {  	v34 =	vor.u32 v1, v15;
	v18 =	vor.u32 v0, v27;
	v33 =	vld.idx.msk [tilespmem:v33+s11+$0x0], $0xffff;
	[tilespmem:s28+$0x50] =	vst v21  }
0x68: {  	s9 =	sand.u32 $0x380, s5;
	[tilespmem:s0+$0xFFFFFFE0] =	vst v29;
	v21 =	vld.idx.msk [tilespmem:v32+s11+$0x0], $0xffff  }
0x69: {  	v29 =	vld.idx.msk [tilespmem:v31+s11+$0x0], $0xffff;
	v31 =	vor.u32 v4, v13;
	[tilespmem:s29+$0x70] =	vst v22;
	s29 =	smov.u32 s31;
	s31 =	sadd.s32 s9, s3  }
0x6a: {  	v22 =	vld.idx.msk [tilespmem:v24+s11+$0x0], $0xffff;
	[tilespmem:s31+$0x0] =	vst v30;
	v24 =	vor.u32 v7, v10;
	v10 =	vmov v13;
	v13 =	vmov v26  }
0x6b: {  	v26 =	vor.u32 v5, v9;
	v19 =	vld.idx.msk [tilespmem:v19+s11+$0x0], $0xffff;
	[tilespmem:s30+$0x40] =	vst v28;
	v28 =	vor.u32 v5, v11  }
0x6c: {  	s5 =	sadd.s32 $0x200, s5;
	v30 =	vor.u32 v1, v25;
	v32 =	vld.idx.msk [tilespmem:v34+s11+$0x0], $0xffff;
	[tilespmem:s29+$0x40] =	vst v23  }
0x6d: {  	s3 =	sadd.s32 $0xFFFFFE80, s5;
	v23 =	vor.u32 v1, v13;
	v34 =	vor.u32 v4, v12;
	v18 =	vld.idx.msk [tilespmem:v18+s11+$0x0], $0xffff;
	[tilespmem:s1+$0x30] =	vst v33  }
0x6e: {  	s0 =	sadd.s32 $0x200, s0;
	s9 =	sadd.s32 $0xFFFFFF00, s5;
	s3 =	sand.u32 $0xC00, s3;
	v33 =	vor.u32 v1, v27;
	v31 =	vld.idx.msk [tilespmem:v31+s11+$0x0], $0xffff;
	[tilespmem:s28+$0x60] =	vst v21  }
0x6f: {  	s20 =	sadd.s32 $0xFFFFFF80, s5;
	s9 =	sand.u32 $0x280, s9;
	s3 =	sadd.s32 $0x2D00, s3;
	[tilespmem:s24+$0xFFFFFFF0] =	vst v29;
	v21 =	vld.idx.msk [tilespmem:v24+s11+$0x0], $0xffff  }
0x70: {  	s21 =	sor.u32 s9, s3;
	s9 =	sand.u32 $0x300, s20;
	[tilespmem:s0+$0xFFFFFFC0] =	vst v22;
	v22 =	vld.idx.msk [tilespmem:v26+s11+$0x0], $0xffff  }
0x71: {  	s9 =	sadd.s32 s9, s3;
	[tilespmem:s21+$0x0] =	vst v19;
	v19 =	vor.u32 v2, v15;
	v24 =	vld.idx.msk [tilespmem:v28+s11+$0x0], $0xffff  }
0x72: {  	v26 =	vld.idx.msk [tilespmem:v34+s11+$0x0], $0xffff;
	[tilespmem:s25+$0x20] =	vst v20;
	v20 =	vor.u32 v6, v9  }
0x73: {  	v29 =	vor.u32 v7, v8;
	v8 =	vmov v12;
	v12 =	vmov v25;
	v28 =	vld.idx.msk [tilespmem:v30+s11+$0x0], $0xffff;
	[tilespmem:s31+$0x10] =	vst v32  }
0x74: {  	v25 =	vor.u32 v5, v8;
	v32 =	vor.u32 v2, v13;
	[tilespmem:s1+$0x40] =	vst v31;
	v30 =	vld.idx.msk [tilespmem:v17+s11+$0x0], $0xffff  }
0x75: {  	v17 =	vor.u32 v2, v27;
	v23 =	vld.idx.msk [tilespmem:v23+s11+$0x0], $0xffff;
	[tilespmem:s28+$0x70] =	vst v21;
	s28 =	smov.u32 s1;
	s1 =	smov.u32 s21  }
0x76: {  	v34 =	vor.u32 v6, v11;
	v21 =	vor.u32 v3, v14;
	v31 =	vld.idx.msk [tilespmem:v19+s11+$0x0], $0xffff;
	[tilespmem:s30+$0x50] =	vst v22  }
0x77: {  	v35 =	vld.idx.msk [tilespmem:v20+s11+$0x0], $0xffff;
	[tilespmem:s29+$0x50] =	vst v24  }
0x78: {  	v24 =	vor.u32 v3, v15;
	[tilespmem:s24+$0x0] =	vst v26;
	v19 =	vld.idx.msk [tilespmem:v29+s11+$0x0], $0xffff  }
0x79: {  	[tilespmem:s9+$0x0] =	vst v18;
	v36 =	vld.idx.msk [tilespmem:v25+s11+$0x0], $0xffff;
	v18 =	vor.u32 v7, v9;
	v9 =	vmov v14;
	v14 =	vmov v27  }
0x7a: {  	s10 =	sadd.s32 $0x3, s10;
	v37 =	vor.u32 v5, v10;
	v33 =	vld.idx.msk [tilespmem:v33+s11+$0x0], $0xffff;
	[tilespmem:s26+$0x20] =	vst v30  }
0x7b: {  	v22 =	vor.u32 v7, v11;
	v11 =	vmov v15;
	v20 =	vmov s10;
	[tilespmem:s1+$0x10] =	vst v23;
	v27 =	vld.idx.msk [tilespmem:v21+s11+$0x0], $0xffff  }
.Ltmp0:
0x7c: {  	v29 =	vor.u32 v2, v12;
	v15 =	vand.u32 $0x1F, v20;
	[tilespmem:s31+$0x20] =	vst v31;
	v25 =	vld.idx.msk [tilespmem:v34+s11+$0x0], $0xffff;
	(pc) =	sbr.rel @p1 .LBB2_3-.Ltmp0, $4  }
0x7d: {  	v20 =	vor.u32 v6, v8;
	v15 =	vbroadcast v15, $0x0;
	v26 =	vld.idx.msk [tilespmem:v24+s11+$0x0], $0xffff;
	[tilespmem:s30+$0x60] =	vst v35  }
0x7e: {  	[tilespmem:s0+$0xFFFFFFD0] =	vst v28;
	v24 =	vld.idx.msk [tilespmem:v18+s11+$0x0], $0xffff  }
0x7f: {  	v30 =	vor.u32 v0, v15;
	v18 =	vor.u32 v4, v15;
	[tilespmem:s24+$0x10] =	vst v36;
	v21 =	vld.idx.msk [tilespmem:v37+s11+$0x0], $0xffff  }
0x80: {  	v28 =	vor.u32 v4, v9;
	v23 =	vld.idx.msk [tilespmem:v32+s11+$0x0], $0xffff;
	[tilespmem:s9+$0x10] =	vst v33  }
0x81: {  	_ =	sdelay $0x3  }
0x82: {  	v30 =	vld.idx.msk [tilespmem:v30+s11+$0x0], $0xffff  }
0x83: {  	v31 =	vor.u32 v1, v15;
	_ =	sdelay $0x1  }
0x84: {  	[tilespmem:s26+$0x30] =	vst v27;
	s5 =	sand.u32 $0x380, s5  }
0x85: {  	[tilespmem:s29+$0x60] =	vst v25;
	s3 =	sadd.s32 s5, s3  }
0x86: {  	[tilespmem:s3+$0x0] =	vst v30  }
0x87: {  	[tilespmem:s25+$0x30] =	vst v19;
	v54 =	vld.idx.msk [tilespmem:v31+s11+$0x0], $0xffff  }
0x88: {  	v55 =	vld.idx.msk [tilespmem:v29+s11+$0x0], $0xffff;
	v56 =	vor.u32 v2, v15;
	[tilespmem:s31+$0x30] =	vst v26  }
0x89: {  	v17 =	vld.idx.msk [tilespmem:v17+s11+$0x0], $0xffff;
	[tilespmem:s30+$0x70] =	vst v24  }
0x8a: {  	v57 =	vor.u32 v3, v13;
	v33 =	vld.idx.msk [tilespmem:v20+s11+$0x0], $0xffff;
	[tilespmem:s28+$0x50] =	vst v21  }
0x8b: {  	v58 =	vor.u32 v6, v10;
	v22 =	vld.idx.msk [tilespmem:v22+s11+$0x0], $0xffff;
	[tilespmem:s1+$0x20] =	vst v23  }
0x8c: {  	v60 =	vor.u32 v3, v14;
	v28 =	vld.idx.msk [tilespmem:v28+s11+$0x0], $0xffff;
	[tilespmem:s3+$0x10] =	vst v54  }
0x8d: {  	v59 =	vor.u32 v3, v12;
	[tilespmem:s0+$0xFFFFFFE0] =	vst v55;
	v24 =	vld.idx.msk [tilespmem:v56+s11+$0x0], $0xffff  }
0x8e: {  	v62 =	vor.u32 v3, v15;
	v16 =	vld.idx.msk [tilespmem:v16+s11+$0x0], $0xffff;
	[tilespmem:s9+$0x20] =	vst v17  }
0x8f: {  	v8 =	vor.u32 v7, v8;
	v61 =	vld.idx.msk [tilespmem:v57+s11+$0x0], $0xffff;
	[tilespmem:s24+$0x20] =	vst v33  }
0x90: {  	v19 =	vld.idx.msk [tilespmem:v58+s11+$0x0], $0xffff;
	v30 =	vor.u32 v5, v9;
	[tilespmem:s29+$0x70] =	vst v22  }
0x91: {  	v63 =	vor.u32 v4, v13;
	[tilespmem:s26+$0x40] =	vst v28;
	v32 =	vld.idx.msk [tilespmem:v60+s11+$0x0], $0xffff  }
0x92: {  	v34 =	vor.u32 v4, v14;
	v23 =	vld.idx.msk [tilespmem:v59+s11+$0x0], $0xffff;
	[tilespmem:s3+$0x20] =	vst v24  }
0x93: {  	v35 =	vor.u32 v4, v12;
	[tilespmem:s31+$0x40] =	vst v16;
	v22 =	vld.idx.msk [tilespmem:v62+s11+$0x0], $0xffff  }
0x94: {  	v8 =	vld.idx.msk [tilespmem:v8+s11+$0x0], $0xffff;
	[tilespmem:s1+$0x30] =	vst v61  }
0x95: {  	v37 =	vor.u32 v5, v11;
	[tilespmem:s28+$0x60] =	vst v19;
	v38 =	vld.idx.msk [tilespmem:v30+s11+$0x0], $0xffff  }
0x96: {  	v31 =	vor.u32 v7, v10;
	v36 =	vld.idx.msk [tilespmem:v63+s11+$0x0], $0xffff;
	[tilespmem:s9+$0x30] =	vst v32  }
0x97: {  	v40 =	vor.u32 v5, v13;
	[tilespmem:s0+$0xFFFFFFF0] =	vst v23;
	v41 =	vld.idx.msk [tilespmem:v34+s11+$0x0], $0xffff  }
0x98: {  	v43 =	vor.u32 v5, v14;
	v42 =	vld.idx.msk [tilespmem:v35+s11+$0x0], $0xffff;
	[tilespmem:s3+$0x30] =	vst v22  }
0x99: {  	v44 =	vor.u32 v5, v12;
	[tilespmem:s24+$0x30] =	vst v8;
	v18 =	vld.idx.msk [tilespmem:v18+s11+$0x0], $0xffff  }
0x9a: {  	v45 =	vor.u32 v5, v15;
	v19 =	vld.idx.msk [tilespmem:v37+s11+$0x0], $0xffff;
	[tilespmem:s26+$0x50] =	vst v38  }
0x9b: {  	v39 =	vor.u32 v6, v9;
	v10 =	vld.idx.msk [tilespmem:v31+s11+$0x0], $0xffff;
	[tilespmem:s1+$0x40] =	vst v36  }
0x9c: {  	v46 =	vor.u32 v6, v11;
	v16 =	vld.idx.msk [tilespmem:v40+s11+$0x0], $0xffff;
	[tilespmem:s9+$0x40] =	vst v41  }
0x9d: {  	v49 =	vor.u32 v6, v13;
	[tilespmem:s0+$0x0] =	vst v42;
	v50 =	vld.idx.msk [tilespmem:v43+s11+$0x0], $0xffff  }
0x9e: {  	v52 =	vor.u32 v6, v14;
	v51 =	vld.idx.msk [tilespmem:v44+s11+$0x0], $0xffff;
	[tilespmem:s3+$0x40] =	vst v18  }
0x9f: {  	v53 =	vor.u32 v6, v12;
	[tilespmem:s31+$0x50] =	vst v19;
	v54 =	vld.idx.msk [tilespmem:v45+s11+$0x0], $0xffff  }
0xa0: {  	v55 =	vor.u32 v6, v15;
	[tilespmem:s28+$0x70] =	vst v10;
	v47 =	vld.idx.msk [tilespmem:v39+s11+$0x0], $0xffff  }
0xa1: {  	v48 =	vor.u32 v7, v9;
	v10 =	vld.idx.msk [tilespmem:v46+s11+$0x0], $0xffff;
	[tilespmem:s1+$0x50] =	vst v16  }
0xa2: {  	v56 =	vor.u32 v7, v11;
	v16 =	vld.idx.msk [tilespmem:v49+s11+$0x0], $0xffff;
	[tilespmem:s9+$0x50] =	vst v50  }
0xa3: {  	v57 =	vor.u32 v7, v13;
	[tilespmem:s0+$0x10] =	vst v51;
	v58 =	vld.idx.msk [tilespmem:v52+s11+$0x0], $0xffff  }
0xa4: {  	v60 =	vor.u32 v7, v14;
	v59 =	vld.idx.msk [tilespmem:v53+s11+$0x0], $0xffff;
	[tilespmem:s3+$0x50] =	vst v54  }
0xa5: {  	v61 =	vor.u32 v7, v12;
	[tilespmem:s26+$0x60] =	vst v47;
	v62 =	vld.idx.msk [tilespmem:v55+s11+$0x0], $0xffff  }
0xa6: {  	v63 =	vor.u32 v7, v15;
	[tilespmem:s31+$0x60] =	vst v10;
	v9 =	vld.idx.msk [tilespmem:v48+s11+$0x0], $0xffff  }
0xa7: {  	v11 =	vld.idx.msk [tilespmem:v56+s11+$0x0], $0xffff;
	[tilespmem:s1+$0x60] =	vst v16  }
0xa8: {  	v13 =	vld.idx.msk [tilespmem:v57+s11+$0x0], $0xffff;
	[tilespmem:s9+$0x60] =	vst v58  }
0xa9: {  	[tilespmem:s0+$0x20] =	vst v59;
	v14 =	vld.idx.msk [tilespmem:v60+s11+$0x0], $0xffff  }
0xaa: {  	v10 =	vld.idx.msk [tilespmem:v61+s11+$0x0], $0xffff;
	[tilespmem:s3+$0x60] =	vst v62  }
0xab: {  	[tilespmem:s26+$0x70] =	vst v9;
	v8 =	vld.idx.msk [tilespmem:v63+s11+$0x0], $0xffff  }
0xac: {  	p1 =	sne.s32 s22, $0xC;
	[tilespmem:s31+$0x70] =	vst v11  }
.Ltmp1:
0xad: {  	s30 =	sshll.u32 s22, $0x12;
	[tilespmem:s1+$0x70] =	vst v13;
	(pc) =	sbr.rel @p1 .LBB2_6-.Ltmp1, $4  }
0xae: {  	s1 =	sor.u32 s6, s30;
	[tilespmem:s9+$0x70] =	vst v14  }
0xaf: {  	[tilespmem:s0+$0x30] =	vst v10;
	s31 =	sshrl.u32 s1, $0x3  }
0xb0: {  	s0 =	sadd.s32 s2, s31;
	[tilespmem:s3+$0x70] =	vst v8  }
0xb1: {  	[hbm4b:s0+s14] =	stream.strided.scatter [tilespmem:s16], [sflag:$0x4], $0x1000, s15, s14, $0x38;
	[tilespmem:$0x4D00] =	vst v63  }
.Ltmp2:
0xb2: {  	(pc) =	sbr.rel .LBB2_7-.Ltmp2, $4  }
0xb3: {  	_ = 	snop  }
0xb4: {  	_ =	swait.ge [sflag:s17], $0x1000  }
0xb5: {  	[sflag:s17] =	ssyncset.done $0x0  }
0xb6: {  	[sflag:s17] =	ssyncadd.s32 $0xFFFFF000  }
.LBB2_6:
0xb7: {  	s0 =	sshll.u32 s22, $0x8  }
0xb8: {  	s0 =	sand.u32 $0x3FFFFF00, s0  }
.Ltmp3:
0xb9: {  	s0 =	sadd.s32 $0x100, s0;
	(pc) =	sbr.rel @p0 .LBB2_8-.Ltmp3, $4  }
0xba: {  	[tilespmem:s11], [sflag:$0x2] =	stream.indirect.gather [hbm4b:s4+s8], $0x20, s0, s8, $0xb8;
	[tilespmem:$0x4D00] =	vst v63  }
0xbb: {  	_ =	swait.ge [sflag:s17], $0x1000  }
0xbc: {  	[sflag:s17] =	ssyncset.done $0x0  }
0xbd: {  	[sflag:s17] =	ssyncadd.s32 $0xFFFFF000  }
.LBB2_7:
0xbe: {  	_ =	swait.ge [sflag:s18], $0x1000  }
0xbf: {  	[sflag:s18] =	ssyncset.done $0x0  }
0xc0: {  	[sflag:s18] =	ssyncadd.s32 $0xFFFFF000  }
.LBB2_8:
0xc1: {  	s0 =	simm.s32 $0x0  }
0xc2: {  	s21 =	simm.s32 $0x1;
	v8 =	vmov s0  }
0xc3: {  	v9 =	vmov s21;
	v8 =	vand.u32 $0x1C, v8  }
0xc4: {  	v16 =	vbroadcast v8, $0x0;
	v8 =	vand.u32 $0x1D, v9  }
0xc5: {  	v17 =	vbroadcast v8, $0x0  }
0xc6: {  	v8 =	vor.u32 v0, v16  }
0xc7: {  	v9 =	vor.u32 v0, v17;
	_ =	sdelay $0x3  }
0xc8: {  	v8 =	vld.idx.msk [tilespmem:v8+s12+$0x0], $0xffff  }
0xc9: {  	s24 =	simm.s32 $0x2;
	v10 =	vor.u32 v1, v16;
	v9 =	vld.idx.msk [tilespmem:v9+s12+$0x0], $0xffff  }
0xca: {  	s25 =	simm.s32 $0x0;
	v11 =	vmov s24;
	v12 =	vor.u32 v1, v17  }
0xcb: {  	s1 =	simm.s32 $0x80;
	s0 =	sand.u32 $0xC00, s25;
	v11 =	vand.u32 $0x1E, v11  }
0xcc: {  	s25 =	simm.s32 $0x3D70;
	s1 =	sand.u32 $0x280, s1;
	s0 =	sadd.s32 $0x2D00, s0;
	v15 =	vbroadcast v11, $0x0  }
0xcd: {  	s26 =	simm.s32 $0x3;
	s9 =	sor.u32 s1, s0;
	[tilespmem:s25+$0xFFFFFF90] =	vst v8  }
0xce: {  	v8 =	vor.u32 v0, v15;
	[tilespmem:s9+$0x1000] =	vst v9;
	v9 =	vld.idx.msk [tilespmem:v10+s12+$0x0], $0xffff;
	v10 =	vmov s26  }
0xcf: {  	v11 =	vld.idx.msk [tilespmem:v12+s12+$0x0], $0xffff;
	v12 =	vor.u32 v2, v16;
	v10 =	vand.u32 $0x1F, v10  }
0xd0: {  	v13 =	vor.u32 v2, v17;
	v18 =	vbroadcast v10, $0x0;
	_ =	sdelay $0x1  }
0xd1: {  	s3 =	simm.s32 $0x4;
	v14 =	vor.u32 v0, v18  }
0xd2: {  	v19 =	vld.idx.msk [tilespmem:v8+s12+$0x0], $0xffff;
	v8 =	vmov s3;
	[tilespmem:s25+$0xFFFFFFA0] =	vst v9  }
0xd3: {  	s5 =	simm.s32 $0x5;
	v20 =	vor.u32 v1, v15;
	v8 =	vand.u32 $0x1C, v8;
	[tilespmem:s9+$0x1010] =	vst v11;
	v11 =	vld.idx.msk [tilespmem:v12+s12+$0x0], $0xffff  }
0xd4: {  	s7 =	simm.s32 $0x6;
	s3 =	simm.s32 $0x100;
	v9 =	vmov s5;
	v8 =	vbroadcast v8, $0x0;
	v12 =	vld.idx.msk [tilespmem:v13+s12+$0x0], $0xffff;
	v13 =	vor.u32 v3, v16  }
0xd5: {  	v22 =	vmov s7;
	v21 =	vor.u32 v3, v17;
	s3 =	sand.u32 $0x300, s3;
	v9 =	vand.u32 $0x1D, v9  }
0xd6: {  	s30 =	sadd.s32 s3, s0;
	v10 =	vbroadcast v9, $0x0;
	v9 =	vand.u32 $0x1E, v22;
	v22 =	vor.u32 v0, v8;
	v14 =	vld.idx.msk [tilespmem:v14+s12+$0x0], $0xffff  }
0xd7: {  	v9 =	vbroadcast v9, $0x0;
	[tilespmem:s30+$0x1000] =	vst v19;
	v19 =	vor.u32 v1, v18  }
0xd8: {  	s10 =	simm.s32 $0x180;
	v23 =	vor.u32 v0, v10;
	v20 =	vld.idx.msk [tilespmem:v20+s12+$0x0], $0xffff;
	[tilespmem:s25+$0xFFFFFFB0] =	vst v11  }
0xd9: {  	s1 =	sand.u32 $0x380, s10;
	v11 =	vor.u32 v0, v9;
	[tilespmem:s9+$0x1020] =	vst v12;
	v12 =	vld.idx.msk [tilespmem:v13+s12+$0x0], $0xffff  }
0xda: {  	s29 =	sadd.s32 s1, s0;
	v13 =	vld.idx.msk [tilespmem:v21+s12+$0x0], $0xffff;
	v21 =	vor.u32 v4, v16  }
0xdb: {  	v24 =	vor.u32 v4, v17;
	v22 =	vld.idx.msk [tilespmem:v22+s12+$0x0], $0xffff;
	[tilespmem:s29+$0x1000] =	vst v14  }
0xdc: {  	v14 =	vor.u32 v2, v15;
	v19 =	vld.idx.msk [tilespmem:v19+s12+$0x0], $0xffff  }
0xdd: {  	v25 =	vor.u32 v2, v18;
	v23 =	vld.idx.msk [tilespmem:v23+s12+$0x0], $0xffff  }
0xde: {  	v26 =	vor.u32 v1, v8;
	v11 =	vld.idx.msk [tilespmem:v11+s12+$0x0], $0xffff;
	[tilespmem:s25+$0xFFFFFFC0] =	vst v12  }
0xdf: {  	s20 =	simm.s32 $0x200;
	v12 =	vor.u32 v1, v10;
	[tilespmem:s9+$0x1030] =	vst v13;
	v13 =	vld.idx.msk [tilespmem:v21+s12+$0x0], $0xffff  }
0xe0: {  	s21 =	simm.s32 $0x280;
	s0 =	sand.u32 $0xC00, s20;
	[tilespmem:s30+$0x1010] =	vst v20;
	v21 =	vor.u32 v5, v16;
	v20 =	vld.idx.msk [tilespmem:v24+s12+$0x0], $0xffff  }
0xe1: {  	s24 =	simm.s32 $0x3F70;
	s1 =	sand.u32 $0x280, s21;
	s0 =	sadd.s32 $0x2D00, s0;
	v24 =	vor.u32 v1, v9;
	v14 =	vld.idx.msk [tilespmem:v14+s12+$0x0], $0xffff;
	[tilespmem:s29+$0x1010] =	vst v19  }
0xe2: {  	s26 =	simm.s32 $0x300;
	s28 =	sor.u32 s1, s0;
	[tilespmem:s24+$0xFFFFFF90] =	vst v22;
	v19 =	vor.u32 v3, v15;
	v22 =	vld.idx.msk [tilespmem:v25+s12+$0x0], $0xffff  }
0xe3: {  	s5 =	sand.u32 $0x300, s26;
	[tilespmem:s28+$0x1000] =	vst v23;
	v23 =	vld.idx.msk [tilespmem:v26+s12+$0x0], $0xffff;
	v25 =	vor.u32 v3, v18  }
0xe4: {  	s7 =	simm.s32 $0x7;
	s26 =	sadd.s32 s5, s0;
	v12 =	vld.idx.msk [tilespmem:v12+s12+$0x0], $0xffff;
	[tilespmem:s25+$0xFFFFFFD0] =	vst v13;
	v13 =	vor.u32 v5, v17  }
0xe5: {  	v27 =	vor.u32 v2, v10;
	v26 =	vmov s7;
	[tilespmem:s26+$0x1000] =	vst v11;
	v21 =	vld.idx.msk [tilespmem:v21+s12+$0x0], $0xffff  }
0xe6: {  	v11 =	vand.u32 $0x1F, v26;
	v24 =	vld.idx.msk [tilespmem:v24+s12+$0x0], $0xffff;
	[tilespmem:s30+$0x1020] =	vst v14;
	v14 =	vor.u32 v2, v8  }
0xe7: {  	v11 =	vbroadcast v11, $0x0;
	v19 =	vld.idx.msk [tilespmem:v19+s12+$0x0], $0xffff;
	[tilespmem:s29+$0x1020] =	vst v22;
	v22 =	vor.u32 v6, v16  }
0xe8: {  	v28 =	vor.u32 v4, v15;
	[tilespmem:s9+$0x1040] =	vst v20;
	v20 =	vld.idx.msk [tilespmem:v25+s12+$0x0], $0xffff  }
0xe9: {  	s10 =	simm.s32 $0x8;
	v25 =	vor.u32 v0, v11;
	[tilespmem:s28+$0x1010] =	vst v12;
	v26 =	vld.idx.msk [tilespmem:v13+s12+$0x0], $0xffff  }
0xea: {  	v29 =	vor.u32 v4, v18;
	s20 =	simm.s32 $0x9;
	[tilespmem:s24+$0xFFFFFFA0] =	vst v23;
	v12 =	vmov s10;
	v23 =	vld.idx.msk [tilespmem:v27+s12+$0x0], $0xffff  }
0xeb: {  	v12 =	vand.u32 $0x1C, v12;
	v13 =	vmov s20;
	v27 =	vor.u32 v3, v10;
	[tilespmem:s25+$0xFFFFFFE0] =	vst v21;
	v21 =	vld.idx.msk [tilespmem:v14+s12+$0x0], $0xffff  }
0xec: {  	s21 =	simm.s32 $0xA;
	v30 =	vor.u32 v6, v17;
	v12 =	vbroadcast v12, $0x0;
	v13 =	vand.u32 $0x1D, v13;
	[tilespmem:s30+$0x1030] =	vst v19;
	v22 =	vld.idx.msk [tilespmem:v22+s12+$0x0], $0xffff  }
0xed: {  	v14 =	vmov s21;
	v13 =	vbroadcast v13, $0x0;
	v19 =	vor.u32 v3, v8;
	v28 =	vld.idx.msk [tilespmem:v28+s12+$0x0], $0xffff  }
0xee: {  	v14 =	vand.u32 $0x1E, v14;
	v25 =	vld.idx.msk [tilespmem:v25+s12+$0x0], $0xffff;
	[tilespmem:s29+$0x1030] =	vst v20;
	v20 =	vor.u32 v0, v12  }
0xef: {  	v14 =	vbroadcast v14, $0x0;
	v31 =	vor.u32 v0, v13;
	[tilespmem:s28+$0x1020] =	vst v23;
	v23 =	vld.idx.msk [tilespmem:v29+s12+$0x0], $0xffff  }
0xf0: {  	v29 =	vor.u32 v1, v11;
	[tilespmem:s9+$0x1050] =	vst v26;
	v27 =	vld.idx.msk [tilespmem:v27+s12+$0x0], $0xffff  }
0xf1: {  	s3 =	simm.s32 $0x380;
	v26 =	vor.u32 v0, v14;
	[tilespmem:s24+$0xFFFFFFB0] =	vst v21;
	v21 =	vld.idx.msk [tilespmem:v30+s12+$0x0], $0xffff  }
0xf2: {  	s1 =	sand.u32 $0x380, s3;
	[tilespmem:s26+$0x1010] =	vst v24;
	v24 =	vor.u32 v4, v10;
	v19 =	vld.idx.msk [tilespmem:v19+s12+$0x0], $0xffff  }
0xf3: {  	s31 =	sadd.s32 s1, s0;
	v17 =	vor.u32 v7, v17;
	[tilespmem:s30+$0x1040] =	vst v28;
	v20 =	vld.idx.msk [tilespmem:v20+s12+$0x0], $0xffff  }
0xf4: {  	v28 =	vor.u32 v5, v15;
	[tilespmem:s31+$0x1000] =	vst v25;
	v25 =	vld.idx.msk [tilespmem:v31+s12+$0x0], $0xffff  }
0xf5: {  	v30 =	vor.u32 v5, v18;
	v29 =	vld.idx.msk [tilespmem:v29+s12+$0x0], $0xffff;
	[tilespmem:s29+$0x1040] =	vst v23  }
0xf6: {  	v23 =	vld.idx.msk [tilespmem:v26+s12+$0x0], $0xffff;
	v26 =	vor.u32 v4, v8;
	[tilespmem:s28+$0x1030] =	vst v27  }
0xf7: {  	s5 =	simm.s32 $0x400;
	v27 =	vor.u32 v1, v12;
	[tilespmem:s9+$0x1060] =	vst v21;
	v24 =	vld.idx.msk [tilespmem:v24+s12+$0x0], $0xffff  }
0xf8: {  	s0 =	simm.s32 $0x4170;
	s7 =	sand.u32 $0xC00, s5;
	s10 =	simm.s32 $0x480;
	v21 =	vor.u32 v2, v9;
	[tilespmem:s24+$0xFFFFFFC0] =	vst v19;
	v17 =	vld.idx.msk [tilespmem:v17+s12+$0x0], $0xffff  }
0xf9: {  	s3 =	sadd.s32 $0x2D00, s7;
	s5 =	sand.u32 $0x280, s10;
	v19 =	vor.u32 v1, v13;
	[tilespmem:s0+$0xFFFFFF90] =	vst v20;
	v20 =	vld.idx.msk [tilespmem:v28+s12+$0x0], $0xffff  }
0xfa: {  	v16 =	vor.u32 v7, v16;
	s1 =	sor.u32 s5, s3;
	[tilespmem:s25+$0xFFFFFFF0] =	vst v22;
	v28 =	vld.idx.msk [tilespmem:v30+s12+$0x0], $0xffff  }
0xfb: {  	[tilespmem:s1+$0x1000] =	vst v25;
	v25 =	vor.u32 v2, v11;
	v26 =	vld.idx.msk [tilespmem:v26+s12+$0x0], $0xffff  }
0xfc: {  	s20 =	simm.s32 $0x500;
	v22 =	vor.u32 v6, v15;
	[tilespmem:s31+$0x1010] =	vst v29;
	v30 =	vld.idx.msk [tilespmem:v27+s12+$0x0], $0xffff  }
0xfd: {  	s5 =	sand.u32 $0x300, s20;
	v27 =	vor.u32 v5, v8;
	v21 =	vld.idx.msk [tilespmem:v21+s12+$0x0], $0xffff;
	[tilespmem:s28+$0x1040] =	vst v24  }
0xfe: {  	v32 =	vor.u32 v5, v10;
	v29 =	vld.idx.msk [tilespmem:v19+s12+$0x0], $0xffff;
	[tilespmem:s9+$0x1070] =	vst v17;
	s9 =	sadd.s32 s5, s3  }
0xff: {  	v24 =	vor.u32 v1, v14;
	v19 =	vld.idx.msk [tilespmem:v16+s12+$0x0], $0xffff;
	[tilespmem:s9+$0x1000] =	vst v23  }
0x100: {  	v17 =	vor.u32 v3, v9;
	v25 =	vld.idx.msk [tilespmem:v25+s12+$0x0], $0xffff;
	[tilespmem:s30+$0x1050] =	vst v20  }
0x101: {  	v20 =	vor.u32 v6, v18;
	v22 =	vld.idx.msk [tilespmem:v22+s12+$0x0], $0xffff;
	[tilespmem:s24+$0xFFFFFFD0] =	vst v26  }
0x102: {  	[tilespmem:s29+$0x1050] =	vst v28;
	v26 =	vor.u32 v3, v11;
	v23 =	vld.idx.msk [tilespmem:v27+s12+$0x0], $0xffff  }
0x103: {  	s21 =	simm.s32 $0xB;
	v28 =	vor.u32 v7, v15;
	[tilespmem:s26+$0x1020] =	vst v21;
	v21 =	vld.idx.msk [tilespmem:v32+s12+$0x0], $0xffff  }
0x104: {  	v33 =	vor.u32 v2, v13;
	v15 =	vmov s21;
	[tilespmem:s0+$0xFFFFFFA0] =	vst v30;
	v31 =	vld.idx.msk [tilespmem:v24+s12+$0x0], $0xffff  }
0x105: {  	v15 =	vand.u32 $0x1F, v15;
	[tilespmem:s1+$0x1010] =	vst v29;
	v27 =	vld.idx.msk [tilespmem:v17+s12+$0x0], $0xffff  }
0x106: {  	v16 =	vor.u32 v4, v11;
	v15 =	vbroadcast v15, $0x0;
	v29 =	vor.u32 v2, v12;
	[tilespmem:s31+$0x1020] =	vst v25;
	v25 =	vld.idx.msk [tilespmem:v20+s12+$0x0], $0xffff  }
0x107: {  	v17 =	vor.u32 v2, v14;
	v20 =	vor.u32 v6, v8;
	v26 =	vld.idx.msk [tilespmem:v26+s12+$0x0], $0xffff;
	[tilespmem:s30+$0x1060] =	vst v22  }
0x108: {  	v30 =	vor.u32 v0, v15;
	v22 =	vor.u32 v7, v18;
	v24 =	vld.idx.msk [tilespmem:v28+s12+$0x0], $0xffff;
	[tilespmem:s24+$0xFFFFFFE0] =	vst v23  }
0x109: {  	s7 =	simm.s32 $0xC;
	s5 =	simm.s32 $0x580;
	v18 =	vor.u32 v4, v15;
	v23 =	vld.idx.msk [tilespmem:v33+s12+$0x0], $0xffff;
	v28 =	vor.u32 v4, v9;
	[tilespmem:s9+$0x1010] =	vst v31  }
.LBB2_9:
0x10a: {  	s20 =	sadd.s32 $0x1, s7  }
0x10b: {  	v31 =	vmov s7;
	p0 =	slt.u32 s7, $0x1C;
	v29 =	vld.idx.msk [tilespmem:v29+s12+$0x0], $0xffff;
	v32 =	vor.u32 v6, v10;
	[tilespmem:s26+$0x1030] =	vst v27;
	s10 =	smov.u32 s7;
	s7 =	sadd.s32 $0x4, s7  }
0x10c: {  	v33 =	vor.u32 v3, v13;
	v27 =	vand.u32 $0x1C, v31;
	v31 =	vmov s20;
	s20 =	sadd.s32 $0x2, s10;
	v20 =	vld.idx.msk [tilespmem:v20+s12+$0x0], $0xffff;
	[tilespmem:s29+$0x1060] =	vst v25  }
0x10d: {  	v25 =	vbroadcast v27, $0x0;
	v27 =	vand.u32 $0x1D, v31;
	v31 =	vmov s20;
	[tilespmem:s31+$0x1030] =	vst v26;
	v22 =	vld.idx.msk [tilespmem:v22+s12+$0x0], $0xffff  }
0x10e: {  	v26 =	vbroadcast v27, $0x0;
	v27 =	vand.u32 $0x1E, v31;
	v31 =	vor.u32 v3, v12;
	v30 =	vld.idx.msk [tilespmem:v30+s12+$0x0], $0xffff;
	[tilespmem:s30+$0x1070] =	vst v24;
	s30 =	smov.u32 s26;
	s26 =	smov.u32 s9  }
0x10f: {  	v24 =	vor.u32 v0, v25;
	v27 =	vbroadcast v27, $0x0;
	v28 =	vld.idx.msk [tilespmem:v28+s12+$0x0], $0xffff;
	[tilespmem:s25+$0x0] =	vst v19;
	s25 =	smov.u32 s24;
	s24 =	smov.u32 s0  }
0x110: {  	v19 =	vor.u32 v0, v26;
	[tilespmem:s1+$0x1020] =	vst v23;
	v23 =	vld.idx.msk [tilespmem:v16+s12+$0x0], $0xffff;
	v16 =	vmov v18  }
0x111: {  	v34 =	vor.u32 v1, v15;
	v18 =	vor.u32 v0, v27;
	v33 =	vld.idx.msk [tilespmem:v33+s12+$0x0], $0xffff;
	[tilespmem:s28+$0x1050] =	vst v21  }
0x112: {  	s9 =	sand.u32 $0x380, s5;
	[tilespmem:s0+$0xFFFFFFB0] =	vst v29;
	v21 =	vld.idx.msk [tilespmem:v32+s12+$0x0], $0xffff  }
0x113: {  	v29 =	vld.idx.msk [tilespmem:v31+s12+$0x0], $0xffff;
	v31 =	vor.u32 v4, v13;
	[tilespmem:s29+$0x1070] =	vst v22;
	s29 =	smov.u32 s31;
	s31 =	sadd.s32 s9, s3  }
0x114: {  	v22 =	vld.idx.msk [tilespmem:v24+s12+$0x0], $0xffff;
	[tilespmem:s31+$0x1000] =	vst v30;
	v24 =	vor.u32 v7, v10;
	v10 =	vmov v13;
	v13 =	vmov v26  }
0x115: {  	v26 =	vor.u32 v5, v9;
	v19 =	vld.idx.msk [tilespmem:v19+s12+$0x0], $0xffff;
	[tilespmem:s30+$0x1040] =	vst v28;
	v28 =	vor.u32 v5, v11  }
0x116: {  	s5 =	sadd.s32 $0x200, s5;
	v30 =	vor.u32 v1, v25;
	v32 =	vld.idx.msk [tilespmem:v34+s12+$0x0], $0xffff;
	[tilespmem:s29+$0x1040] =	vst v23  }
0x117: {  	s3 =	sadd.s32 $0xFFFFFE80, s5;
	v23 =	vor.u32 v1, v13;
	v34 =	vor.u32 v4, v12;
	v18 =	vld.idx.msk [tilespmem:v18+s12+$0x0], $0xffff;
	[tilespmem:s1+$0x1030] =	vst v33  }
0x118: {  	s0 =	sadd.s32 $0x200, s0;
	s9 =	sadd.s32 $0xFFFFFF00, s5;
	s3 =	sand.u32 $0xC00, s3;
	v33 =	vor.u32 v1, v27;
	v31 =	vld.idx.msk [tilespmem:v31+s12+$0x0], $0xffff;
	[tilespmem:s28+$0x1060] =	vst v21  }
0x119: {  	s20 =	sadd.s32 $0xFFFFFF80, s5;
	s9 =	sand.u32 $0x280, s9;
	s3 =	sadd.s32 $0x2D00, s3;
	[tilespmem:s24+$0xFFFFFFC0] =	vst v29;
	v21 =	vld.idx.msk [tilespmem:v24+s12+$0x0], $0xffff  }
0x11a: {  	s21 =	sor.u32 s9, s3;
	s9 =	sand.u32 $0x300, s20;
	[tilespmem:s0+$0xFFFFFF90] =	vst v22;
	v22 =	vld.idx.msk [tilespmem:v26+s12+$0x0], $0xffff  }
0x11b: {  	s9 =	sadd.s32 s9, s3;
	[tilespmem:s21+$0x1000] =	vst v19;
	v19 =	vor.u32 v2, v15;
	v24 =	vld.idx.msk [tilespmem:v28+s12+$0x0], $0xffff  }
0x11c: {  	v26 =	vld.idx.msk [tilespmem:v34+s12+$0x0], $0xffff;
	[tilespmem:s25+$0xFFFFFFF0] =	vst v20;
	v20 =	vor.u32 v6, v9  }
0x11d: {  	v29 =	vor.u32 v7, v8;
	v8 =	vmov v12;
	v12 =	vmov v25;
	v28 =	vld.idx.msk [tilespmem:v30+s12+$0x0], $0xffff;
	[tilespmem:s31+$0x1010] =	vst v32  }
0x11e: {  	v25 =	vor.u32 v5, v8;
	v32 =	vor.u32 v2, v13;
	[tilespmem:s1+$0x1040] =	vst v31;
	v30 =	vld.idx.msk [tilespmem:v17+s12+$0x0], $0xffff  }
0x11f: {  	v17 =	vor.u32 v2, v27;
	v23 =	vld.idx.msk [tilespmem:v23+s12+$0x0], $0xffff;
	[tilespmem:s28+$0x1070] =	vst v21;
	s28 =	smov.u32 s1;
	s1 =	smov.u32 s21  }
0x120: {  	v34 =	vor.u32 v6, v11;
	v21 =	vor.u32 v3, v14;
	v31 =	vld.idx.msk [tilespmem:v19+s12+$0x0], $0xffff;
	[tilespmem:s30+$0x1050] =	vst v22  }
0x121: {  	v35 =	vld.idx.msk [tilespmem:v20+s12+$0x0], $0xffff;
	[tilespmem:s29+$0x1050] =	vst v24  }
0x122: {  	v24 =	vor.u32 v3, v15;
	[tilespmem:s24+$0xFFFFFFD0] =	vst v26;
	v19 =	vld.idx.msk [tilespmem:v29+s12+$0x0], $0xffff  }
0x123: {  	[tilespmem:s9+$0x1000] =	vst v18;
	v36 =	vld.idx.msk [tilespmem:v25+s12+$0x0], $0xffff;
	v18 =	vor.u32 v7, v9;
	v9 =	vmov v14;
	v14 =	vmov v27  }
0x124: {  	s10 =	sadd.s32 $0x3, s10;
	v37 =	vor.u32 v5, v10;
	v33 =	vld.idx.msk [tilespmem:v33+s12+$0x0], $0xffff;
	[tilespmem:s26+$0x1020] =	vst v30  }
0x125: {  	v22 =	vor.u32 v7, v11;
	v11 =	vmov v15;
	v20 =	vmov s10;
	[tilespmem:s1+$0x1010] =	vst v23;
	v27 =	vld.idx.msk [tilespmem:v21+s12+$0x0], $0xffff  }
.Ltmp4:
0x126: {  	v29 =	vor.u32 v2, v12;
	v15 =	vand.u32 $0x1F, v20;
	[tilespmem:s31+$0x1020] =	vst v31;
	v25 =	vld.idx.msk [tilespmem:v34+s12+$0x0], $0xffff;
	(pc) =	sbr.rel @p0 .LBB2_9-.Ltmp4, $4  }
0x127: {  	v20 =	vor.u32 v6, v8;
	v15 =	vbroadcast v15, $0x0;
	v26 =	vld.idx.msk [tilespmem:v24+s12+$0x0], $0xffff;
	[tilespmem:s30+$0x1060] =	vst v35  }
0x128: {  	[tilespmem:s0+$0xFFFFFFA0] =	vst v28;
	v24 =	vld.idx.msk [tilespmem:v18+s12+$0x0], $0xffff  }
0x129: {  	v30 =	vor.u32 v0, v15;
	v18 =	vor.u32 v4, v15;
	[tilespmem:s24+$0xFFFFFFE0] =	vst v36;
	v21 =	vld.idx.msk [tilespmem:v37+s12+$0x0], $0xffff  }
0x12a: {  	v28 =	vor.u32 v4, v9;
	v23 =	vld.idx.msk [tilespmem:v32+s12+$0x0], $0xffff;
	[tilespmem:s9+$0x1010] =	vst v33  }
0x12b: {  	_ =	sdelay $0x3  }
0x12c: {  	v30 =	vld.idx.msk [tilespmem:v30+s12+$0x0], $0xffff  }
0x12d: {  	v31 =	vor.u32 v1, v15;
	_ =	sdelay $0x1  }
0x12e: {  	[tilespmem:s26+$0x1030] =	vst v27;
	s5 =	sand.u32 $0x380, s5  }
0x12f: {  	[tilespmem:s29+$0x1060] =	vst v25;
	s3 =	sadd.s32 s5, s3  }
0x130: {  	[tilespmem:s3+$0x1000] =	vst v30  }
0x131: {  	[tilespmem:s25+$0x0] =	vst v19;
	v54 =	vld.idx.msk [tilespmem:v31+s12+$0x0], $0xffff  }
0x132: {  	v55 =	vld.idx.msk [tilespmem:v29+s12+$0x0], $0xffff;
	v56 =	vor.u32 v2, v15;
	[tilespmem:s31+$0x1030] =	vst v26  }
0x133: {  	v17 =	vld.idx.msk [tilespmem:v17+s12+$0x0], $0xffff;
	[tilespmem:s30+$0x1070] =	vst v24  }
0x134: {  	v57 =	vor.u32 v3, v13;
	v33 =	vld.idx.msk [tilespmem:v20+s12+$0x0], $0xffff;
	[tilespmem:s28+$0x1050] =	vst v21  }
0x135: {  	v58 =	vor.u32 v6, v10;
	v22 =	vld.idx.msk [tilespmem:v22+s12+$0x0], $0xffff;
	[tilespmem:s1+$0x1020] =	vst v23  }
0x136: {  	v60 =	vor.u32 v3, v14;
	v28 =	vld.idx.msk [tilespmem:v28+s12+$0x0], $0xffff;
	[tilespmem:s3+$0x1010] =	vst v54  }
0x137: {  	v59 =	vor.u32 v3, v12;
	[tilespmem:s0+$0xFFFFFFB0] =	vst v55;
	v24 =	vld.idx.msk [tilespmem:v56+s12+$0x0], $0xffff  }
0x138: {  	v62 =	vor.u32 v3, v15;
	v16 =	vld.idx.msk [tilespmem:v16+s12+$0x0], $0xffff;
	[tilespmem:s9+$0x1020] =	vst v17  }
0x139: {  	v8 =	vor.u32 v7, v8;
	v61 =	vld.idx.msk [tilespmem:v57+s12+$0x0], $0xffff;
	[tilespmem:s24+$0xFFFFFFF0] =	vst v33  }
0x13a: {  	v19 =	vld.idx.msk [tilespmem:v58+s12+$0x0], $0xffff;
	v30 =	vor.u32 v5, v9;
	[tilespmem:s29+$0x1070] =	vst v22  }
0x13b: {  	v63 =	vor.u32 v4, v13;
	[tilespmem:s26+$0x1040] =	vst v28;
	v32 =	vld.idx.msk [tilespmem:v60+s12+$0x0], $0xffff  }
0x13c: {  	v34 =	vor.u32 v4, v14;
	v23 =	vld.idx.msk [tilespmem:v59+s12+$0x0], $0xffff;
	[tilespmem:s3+$0x1020] =	vst v24  }
0x13d: {  	v35 =	vor.u32 v4, v12;
	[tilespmem:s31+$0x1040] =	vst v16;
	v22 =	vld.idx.msk [tilespmem:v62+s12+$0x0], $0xffff  }
0x13e: {  	v8 =	vld.idx.msk [tilespmem:v8+s12+$0x0], $0xffff;
	[tilespmem:s1+$0x1030] =	vst v61  }
0x13f: {  	v37 =	vor.u32 v5, v11;
	[tilespmem:s28+$0x1060] =	vst v19;
	v38 =	vld.idx.msk [tilespmem:v30+s12+$0x0], $0xffff  }
0x140: {  	v31 =	vor.u32 v7, v10;
	v36 =	vld.idx.msk [tilespmem:v63+s12+$0x0], $0xffff;
	[tilespmem:s9+$0x1030] =	vst v32  }
0x141: {  	v40 =	vor.u32 v5, v13;
	[tilespmem:s0+$0xFFFFFFC0] =	vst v23;
	v41 =	vld.idx.msk [tilespmem:v34+s12+$0x0], $0xffff  }
0x142: {  	v43 =	vor.u32 v5, v14;
	v42 =	vld.idx.msk [tilespmem:v35+s12+$0x0], $0xffff;
	[tilespmem:s3+$0x1030] =	vst v22  }
0x143: {  	v44 =	vor.u32 v5, v12;
	[tilespmem:s24+$0x0] =	vst v8;
	v18 =	vld.idx.msk [tilespmem:v18+s12+$0x0], $0xffff  }
0x144: {  	v45 =	vor.u32 v5, v15;
	v19 =	vld.idx.msk [tilespmem:v37+s12+$0x0], $0xffff;
	[tilespmem:s26+$0x1050] =	vst v38  }
0x145: {  	v39 =	vor.u32 v6, v9;
	v10 =	vld.idx.msk [tilespmem:v31+s12+$0x0], $0xffff;
	[tilespmem:s1+$0x1040] =	vst v36  }
0x146: {  	v46 =	vor.u32 v6, v11;
	v16 =	vld.idx.msk [tilespmem:v40+s12+$0x0], $0xffff;
	[tilespmem:s9+$0x1040] =	vst v41  }
0x147: {  	v49 =	vor.u32 v6, v13;
	[tilespmem:s0+$0xFFFFFFD0] =	vst v42;
	v50 =	vld.idx.msk [tilespmem:v43+s12+$0x0], $0xffff  }
0x148: {  	v52 =	vor.u32 v6, v14;
	v51 =	vld.idx.msk [tilespmem:v44+s12+$0x0], $0xffff;
	[tilespmem:s3+$0x1040] =	vst v18  }
0x149: {  	v53 =	vor.u32 v6, v12;
	[tilespmem:s31+$0x1050] =	vst v19;
	v54 =	vld.idx.msk [tilespmem:v45+s12+$0x0], $0xffff  }
0x14a: {  	v55 =	vor.u32 v6, v15;
	[tilespmem:s28+$0x1070] =	vst v10;
	v47 =	vld.idx.msk [tilespmem:v39+s12+$0x0], $0xffff  }
0x14b: {  	v48 =	vor.u32 v7, v9;
	v10 =	vld.idx.msk [tilespmem:v46+s12+$0x0], $0xffff;
	[tilespmem:s1+$0x1050] =	vst v16  }
0x14c: {  	v56 =	vor.u32 v7, v11;
	v16 =	vld.idx.msk [tilespmem:v49+s12+$0x0], $0xffff;
	[tilespmem:s9+$0x1050] =	vst v50  }
0x14d: {  	v57 =	vor.u32 v7, v13;
	[tilespmem:s0+$0xFFFFFFE0] =	vst v51;
	v58 =	vld.idx.msk [tilespmem:v52+s12+$0x0], $0xffff  }
0x14e: {  	v60 =	vor.u32 v7, v14;
	v59 =	vld.idx.msk [tilespmem:v53+s12+$0x0], $0xffff;
	[tilespmem:s3+$0x1050] =	vst v54  }
0x14f: {  	v61 =	vor.u32 v7, v12;
	[tilespmem:s26+$0x1060] =	vst v47;
	v62 =	vld.idx.msk [tilespmem:v55+s12+$0x0], $0xffff  }
0x150: {  	v63 =	vor.u32 v7, v15;
	[tilespmem:s31+$0x1060] =	vst v10;
	v9 =	vld.idx.msk [tilespmem:v48+s12+$0x0], $0xffff  }
0x151: {  	v11 =	vld.idx.msk [tilespmem:v56+s12+$0x0], $0xffff;
	[tilespmem:s1+$0x1060] =	vst v16  }
0x152: {  	v13 =	vld.idx.msk [tilespmem:v57+s12+$0x0], $0xffff;
	[tilespmem:s9+$0x1060] =	vst v58  }
0x153: {  	[tilespmem:s0+$0xFFFFFFF0] =	vst v59;
	v14 =	vld.idx.msk [tilespmem:v60+s12+$0x0], $0xffff  }
0x154: {  	v10 =	vld.idx.msk [tilespmem:v61+s12+$0x0], $0xffff;
	[tilespmem:s3+$0x1060] =	vst v62  }
0x155: {  	s22 =	sadd.s32 $0x1, s22;
	[tilespmem:s26+$0x1070] =	vst v9;
	v8 =	vld.idx.msk [tilespmem:v63+s12+$0x0], $0xffff  }
0x156: {  	p0 =	sne.s32 s22, $0xD;
	[tilespmem:s31+$0x1070] =	vst v11  }
.Ltmp5:
0x157: {  	s30 =	sshll.u32 s23, $0x11;
	[tilespmem:s1+$0x1070] =	vst v13;
	(pc) =	sbr.rel @p0 .LBB2_2-.Ltmp5, $4  }
0x158: {  	s1 =	sor.u32 s6, s30;
	[tilespmem:s9+$0x1070] =	vst v14  }
0x159: {  	[tilespmem:s0+$0x0] =	vst v10;
	s31 =	sshrl.u32 s1, $0x3  }
0x15a: {  	s0 =	sadd.s32 s2, s31;
	[tilespmem:s3+$0x1070] =	vst v8  }
0x15b: {  	[hbm4b:s0+s14] =	stream.strided.scatter [tilespmem:s19], [sflag:$0x5], $0x1000, s15, s14, $0x38;
	[tilespmem:$0x4D00] =	vst v63  }
0x15c: {  	s0 =	simm.s32 $0x4  }
0x15d: {  	_ =	swait.ge [sflag:s0], $0x1000  }
0x15e: {  	[sflag:s0] =	ssyncset.done $0x0  }
0x15f: {  	[sflag:s0] =	ssyncadd.s32 $0xFFFFF000  }
0x160: {  	_ =	swait.ge [sflag:s18], $0x1000  }
0x161: {  	s1 =	rddreg [dreg:$0x5]  }
0x162: {  	s31 =	rddreg [dreg:$0x4];
	s1 =	sadd.s32 $0x1, s1  }
0x163: {  	p0 =	sne.s32 s1, s31  }
.Ltmp6:
0x164: {  	_ = 	snop;
	(pc) =	sbr.rel @p0 .LBB2_1-.Ltmp6, $3  }
0x165: {  	_ =	sdelay $0x1  }
0x166: {  	[sflag:s18] =	ssyncset.done $0x0  }
0x167: {  	[sflag:s18] =	ssyncadd.s32 $0xFFFFF000  }
0x168: {  	_ =	sfence.sel $0x180000  }
0x169: {  	[bflag:$0x0] =	sbarrier.arrive $0xFFFF  }
0x16a: {  	_ =	strace $0x9000004A  }
0x16b: {  	s0 =	stileid.u32;
	[bflag:$0x2] =	sbarrier.arrive $0xFFFF  }
0x16c: {  	p0 =	sne.s32 s0, $0x0;
	s0 =	rddreg [dreg:$0x2]  }
0x16d: {  	s0 =	sadd.s32 @!p0 $0x100000, s0  }
0x16e: {  	[sflag:s0] =	ssyncadd.tile.s32 @!p0 $0x1;
	_ =	shalt  }
.Lfunc_end2:
_tile_overlayer_lowered:
.L_overlay_start_2:
0x16f: {  	(tag) =	ssettag $0x2  }
0x170: {  	s0 =	rddreg [dreg:$0x0];
	s2 =	stileid.u32  }
0x171: {  	s1 =	rddreg [dreg:$0x1];
	p0 =	sne.s32 s2, $0x0  }
0x172: {  	s3 =	rddreg [dreg:$0x2];
	[bflag:$0x3] =	sbarrier.arrive $0xFFFF;
	s2 =	simm.s32 @!p0 $0x1C06  }
0x173: {  	[timem:s3], [sflag:s2] =	dma.local @!p0 [hbm:s0], s1  }
0x174: {  	s0 =	simm.s32 @!p0 $0x6  }
0x175: {  	_ =	swait.ge @!p0 [sflag:s0], s1  }
0x176: {  	s1 =	ssub.s32 @!p0 $0x0, s1;
	[sflag:s0] =	ssyncset.done @!p0 $0x0  }
0x177: {  	[sflag:s0] =	ssyncadd.s32 @!p0 s1  }
0x178: {  	[bflag:$0x3] =	sbarrier.arrive $0xFFFF  }
0x179: {  	_ =	shalt  }

</sc_bundles>
